<compile_context>
chip_gen: v7x
topology: tpu7x:2x2x1
jax: 0.10.2.dev20260603
libtpu: 0.0.44.dev20260713+nightly
codegen_flags: <defaults>
</compile_context>

<pallas_src>
import functools

import jax
import jax.numpy as jnp
from jax import lax
from jax.experimental import pallas as pl
from jax.experimental.pallas import tpu as pltpu
from jax.experimental.pallas import tpu_sc as plsc

_SEQ = 200
_BATCH = 4096
_EMBED = 64
_B = _SEQ * _BATCH

_NC, _NS = 2, 16
_NW = _NC * _NS
_G = _BATCH // _NW
_NBUF = 4
_P = 2 * _EMBED

_mesh = plsc.VectorSubcoreMesh(core_axis_name="c", subcore_axis_name="s")


@functools.partial(
    pl.kernel,
    mesh=_mesh,
    out_type=jax.ShapeDtypeStruct((_B, _P), jnp.float32),
    scratch_types=[
        pltpu.VMEM((_SEQ, _G), jnp.int32),
        pltpu.VMEM((_NBUF, _G, _EMBED), jnp.float32),
        pltpu.SemaphoreType.DMA,
        pltpu.SemaphoreType.DMA,
        pltpu.SemaphoreType.DMA,
        pltpu.SemaphoreType.DMA,
        pltpu.SemaphoreType.DMA,
        pltpu.SemaphoreType.DMA,
        pltpu.SemaphoreType.DMA,
        pltpu.SemaphoreType.DMA,
    ],
    compiler_params=pltpu.CompilerParams(
        use_tc_tiling_on_sc=False, skip_device_barrier=True,
        disable_bounds_checks=True, disable_semaphore_checks=True),
)
def _embed_gather(idx_hbm, table_hbm, out_hbm, idx_v, praw_v,
                  g0, g1, g2, g3, w0, w1, w2, w3):
    gsem = [g0, g1, g2, g3]
    wsem = [w0, w1, w2, w3]
    wid = lax.axis_index("s") * _NC + lax.axis_index("c")
    col0 = wid * _G

    def gstart(ci, b):
        pltpu.async_copy(
            table_hbm.at[idx_v.at[ci]], praw_v.at[b], gsem[b])

    def gwait(ci, b):
        pltpu.make_async_copy(
            table_hbm.at[idx_v.at[ci]], praw_v.at[b], gsem[b]).wait()

    def wb(ci, b, sem):
        return pltpu.make_async_copy(
            praw_v.at[b],
            out_hbm.at[pl.ds(ci * _BATCH + col0, _G), pl.ds(0, _EMBED)],
            sem)

    pltpu.sync_copy(idx_hbm.at[:, pl.ds(col0, _G)], idx_v)

    gstart(0, 0)
    gstart(1, 1)

    def group(g, carry):
        ci0 = g * _NBUF
        for q in range(_NBUF):
            ci = ci0 + q
            gwait(ci, q)

            @pl.when(ci >= 2)
            def _():
                wb(ci - 2, (q + 2) % _NBUF, wsem[(q + 2) % _NBUF]).wait()

            @pl.when(ci + 2 < _SEQ)
            def _():
                gstart(ci + 2, (q + 2) % _NBUF)

            wb(ci, q, wsem[q]).start()
        return carry

    lax.fori_loop(0, _SEQ // _NBUF, group, 0)

    for ci in range(_SEQ - 2, _SEQ):
        wb(ci, ci % _NBUF, wsem[ci % _NBUF]).wait()


def kernel(indices, table):
    outp = _embed_gather(indices.astype(jnp.int32), table)
    return outp[:, :_EMBED].reshape(_SEQ, _BATCH, _EMBED)

# --- scband reference (transcript-rebuilt; emitter-appended) ---
"""Pipeline reference for scband-logistic-regression-23888608100469 (READ-ONLY COPY).

The authoritative reference and input builder live on the scoring server;
editing this copy changes nothing except your own understanding.
"""

import jax, jax.numpy as jnp
import numpy as np

VOCAB = 1000000
EMBED_DIM = 64
SEQ_LEN = 200
BATCH = 4096


def setup_inputs(seed: int = 0) -> dict:
    key = jax.random.key(seed)
    k_idx, k_tab = jax.random.split(key)
    # Padded lyric indices, shape (longest_lyric_len, batch_size), already
    # transposed as in to_input_tensor (torch.t of [B, L]).
    indices = jax.random.randint(k_idx, (SEQ_LEN, BATCH), 0, VOCAB, dtype=jnp.int64)
    # Pretrained embedding table (nn.Embedding.from_pretrained).
    table = jax.random.normal(k_tab, (VOCAB, EMBED_DIM), dtype=jnp.float32) * 0.02
    return {"indices": indices, "table": table}


def reference(indices, table):
    # Embedding lookup: equivalent to self.embedding(lyrics_padded)
    # lyrics_padded: int64[L, B] -> float32[L, B, D]
    out = jnp.take(table, indices, axis=0)
    return out

if __name__ == "__main__":
    import jax
    _d = setup_inputs()
    print(jax.jit(kernel)(*tuple(_d.values())))

</pallas_src>

<mosaic_0001>
#map = affine_map<(d0, d1) -> (0, 0)>
module attributes {stable_mosaic.version = 14 : i64} {
  func.func @_embed_gather(%arg0: i32, %arg1: i32, %arg2: memref<200x4096xi32, #tpu.memory_space<hbm>>, %arg3: memref<1000000x64xf32, #tpu.memory_space<hbm>>, %arg4: memref<819200x128xf32, #tpu.memory_space<hbm>>, %arg5: memref<200x128xi32, #tpu.memory_space<vmem>>, %arg6: memref<4x128x64xf32, #tpu.memory_space<vmem>>, %arg7: memref<!tpu.dma_semaphore, #tpu.memory_space<semaphore_mem>>, %arg8: memref<!tpu.dma_semaphore, #tpu.memory_space<semaphore_mem>>, %arg9: memref<!tpu.dma_semaphore, #tpu.memory_space<semaphore_mem>>, %arg10: memref<!tpu.dma_semaphore, #tpu.memory_space<semaphore_mem>>, %arg11: memref<!tpu.dma_semaphore, #tpu.memory_space<semaphore_mem>>, %arg12: memref<!tpu.dma_semaphore, #tpu.memory_space<semaphore_mem>>, %arg13: memref<!tpu.dma_semaphore, #tpu.memory_space<semaphore_mem>>, %arg14: memref<!tpu.dma_semaphore, #tpu.memory_space<semaphore_mem>>) attributes {dimension_semantics = [#tpu.dimension_semantics<core_parallel>, #tpu.dimension_semantics<subcore_parallel>], iteration_bounds = array<i64: 2, 16>, scalar_prefetch = 0 : i64, scratch_operands = 10 : i64, tpu.core_type = #tpu.core_type<sc_vector_subcore>, window_params = [{transform_indices = #map}, {transform_indices = #map}, {transform_indices = #map}]} {
    %mul3A = arith.constant 2 : i32
    %mul3A_0 = arith.muli %arg1, %mul3A : i32
    %add3A = arith.addi %mul3A_0, %arg0 : i32
    %mul3A_1 = arith.constant 128 : i32
    %mul3A_2 = arith.muli %add3A, %mul3A_1 : i32
    "tpu.region"() ({
      %run_scoped3A = tpu.sem_alloc : memref<!tpu.dma_semaphore, #tpu.memory_space<semaphore_mem>>
      %dma_start3A_60 = arith.constant 0 : i32
      %dma_start3A_61 = tpu.memref_slice %arg2[%dma_start3A_60, %mul3A_2] : memref<200x4096xi32, #tpu.memory_space<hbm>> -> memref<200x128xi32, #tpu.memory_space<hbm>>
      %dma_start3A_62 = arith.constant 0 : i32
      %dma_start3A_63 = tpu.memref_slice %arg2[%dma_start3A_62, %mul3A_2] : memref<200x4096xi32, #tpu.memory_space<hbm>> -> memref<200x128xi32, #tpu.memory_space<hbm>>
      tpu.enqueue_dma source(%dma_start3A_63 : memref<200x128xi32, #tpu.memory_space<hbm>>) target(%arg5 : memref<200x128xi32, #tpu.memory_space<vmem>>) target_semaphore(%run_scoped3A : memref<!tpu.dma_semaphore, #tpu.memory_space<semaphore_mem>>)
      %dma_wait3A_64 = arith.constant 0 : i32
      %dma_wait3A_65 = tpu.memref_slice %arg2[%dma_wait3A_64, %mul3A_2] : memref<200x4096xi32, #tpu.memory_space<hbm>> -> memref<200x128xi32, #tpu.memory_space<hbm>>
      %dma_wait3A_66 = arith.constant 0 : i32
      %dma_wait3A_67 = tpu.memref_slice %arg2[%dma_wait3A_66, %mul3A_2] : memref<200x4096xi32, #tpu.memory_space<hbm>> -> memref<200x128xi32, #tpu.memory_space<hbm>>
      tpu.wait_dma2 semaphore(%run_scoped3A : memref<!tpu.dma_semaphore, #tpu.memory_space<semaphore_mem>>) src(%dma_wait3A_67 : memref<200x128xi32, #tpu.memory_space<hbm>>) dst(%arg5 : memref<200x128xi32, #tpu.memory_space<vmem>>)
      tpu.yield
    }) : () -> ()
    %dma_start3A = arith.constant 0 : i32
    %dma_start3A_3 = arith.constant 0 : i32
    %dma_start3A_4 = arith.constant 0 : i32
    %dma_start3A_5 = arith.constant 0 : i32
    %dma_start3A_6 = tpu.memref_slice %arg6[%dma_start3A_3, %dma_start3A_4, %dma_start3A_5] : memref<4x128x64xf32, #tpu.memory_space<vmem>> -> memref<1x128x64xf32, #tpu.memory_space<vmem>>
    %dma_start3A_7 = tpu.memref_squeeze %dma_start3A_6 : memref<1x128x64xf32, #tpu.memory_space<vmem>> -> memref<128x64xf32, #tpu.memory_space<vmem>>
    %dma_start3A_8 = arith.constant 0 : i32
    %dma_start3A_9 = tpu.memref_slice %arg5[%dma_start3A, %dma_start3A_8] : memref<200x128xi32, #tpu.memory_space<vmem>> -> memref<1x128xi32, #tpu.memory_space<vmem>>
    %dma_start3A_10 = tpu.memref_squeeze %dma_start3A_9 : memref<1x128xi32, #tpu.memory_space<vmem>> -> memref<128xi32, #tpu.memory_space<vmem>>
    %dma_start3A_11 = arith.constant 0 : i32
    %dma_start3A_12 = arith.constant 0 : i32
    %dma_start3A_13 = tpu.memref_slice %arg3[%dma_start3A_11, %dma_start3A_12] : memref<1000000x64xf32, #tpu.memory_space<hbm>> -> memref<1000000x64xf32, #tpu.memory_space<hbm>>
    tpu.enqueue_indirect_dma source(%dma_start3A_13 : memref<1000000x64xf32, #tpu.memory_space<hbm>>) target(%dma_start3A_7 : memref<128x64xf32, #tpu.memory_space<vmem>>) offsets(%dma_start3A_10 : memref<128xi32, #tpu.memory_space<vmem>>) semaphore(%arg7 : memref<!tpu.dma_semaphore, #tpu.memory_space<semaphore_mem>>)
    %dma_start3A_14 = arith.constant 1 : i32
    %dma_start3A_15 = arith.constant 1 : i32
    %dma_start3A_16 = arith.constant 0 : i32
    %dma_start3A_17 = arith.constant 0 : i32
    %dma_start3A_18 = tpu.memref_slice %arg6[%dma_start3A_15, %dma_start3A_16, %dma_start3A_17] : memref<4x128x64xf32, #tpu.memory_space<vmem>> -> memref<1x128x64xf32, #tpu.memory_space<vmem>>
    %dma_start3A_19 = tpu.memref_squeeze %dma_start3A_18 : memref<1x128x64xf32, #tpu.memory_space<vmem>> -> memref<128x64xf32, #tpu.memory_space<vmem>>
    %dma_start3A_20 = arith.constant 0 : i32
    %dma_start3A_21 = tpu.memref_slice %arg5[%dma_start3A_14, %dma_start3A_20] : memref<200x128xi32, #tpu.memory_space<vmem>> -> memref<1x128xi32, #tpu.memory_space<vmem>>
    %dma_start3A_22 = tpu.memref_squeeze %dma_start3A_21 : memref<1x128xi32, #tpu.memory_space<vmem>> -> memref<128xi32, #tpu.memory_space<vmem>>
    %dma_start3A_23 = arith.constant 0 : i32
    %dma_start3A_24 = arith.constant 0 : i32
    %dma_start3A_25 = tpu.memref_slice %arg3[%dma_start3A_23, %dma_start3A_24] : memref<1000000x64xf32, #tpu.memory_space<hbm>> -> memref<1000000x64xf32, #tpu.memory_space<hbm>>
    tpu.enqueue_indirect_dma source(%dma_start3A_25 : memref<1000000x64xf32, #tpu.memory_space<hbm>>) target(%dma_start3A_19 : memref<128x64xf32, #tpu.memory_space<vmem>>) offsets(%dma_start3A_22 : memref<128xi32, #tpu.memory_space<vmem>>) semaphore(%arg8 : memref<!tpu.dma_semaphore, #tpu.memory_space<semaphore_mem>>)
    %scan3A = arith.constant 0 : i32
    %scan3A_26 = arith.constant 0 : i32
    %scan3A_27 = arith.constant 50 : i32
    %scan3A_28 = arith.addi %scan3A_26, %scan3A_27 : i32
    %scan3A_29 = arith.constant 1 : i32
    scf.for %scan3A_60 = %scan3A_26 to %scan3A_28 step %scan3A_29  : i32 {
      %mul3A_61 = arith.constant 4 : i32
      %mul3A_62 = arith.muli %scan3A_60, %mul3A_61 : i32
      %add3A_63 = arith.constant 0 : i32
      %add3A_64 = arith.addi %mul3A_62, %add3A_63 : i32
      %dma_wait3A_65 = arith.constant 0 : i32
      %dma_wait3A_66 = arith.constant 0 : i32
      %dma_wait3A_67 = arith.constant 0 : i32
      %dma_wait3A_68 = tpu.memref_slice %arg6[%dma_wait3A_65, %dma_wait3A_66, %dma_wait3A_67] : memref<4x128x64xf32, #tpu.memory_space<vmem>> -> memref<1x128x64xf32, #tpu.memory_space<vmem>>
      %dma_wait3A_69 = tpu.memref_squeeze %dma_wait3A_68 : memref<1x128x64xf32, #tpu.memory_space<vmem>> -> memref<128x64xf32, #tpu.memory_space<vmem>>
      %dma_wait3A_70 = arith.constant 0 : i32
      %dma_wait3A_71 = tpu.memref_slice %arg5[%add3A_64, %dma_wait3A_70] : memref<200x128xi32, #tpu.memory_space<vmem>> -> memref<1x128xi32, #tpu.memory_space<vmem>>
      %dma_wait3A_72 = tpu.memref_squeeze %dma_wait3A_71 : memref<1x128xi32, #tpu.memory_space<vmem>> -> memref<128xi32, #tpu.memory_space<vmem>>
      %dma_wait3A_73 = arith.constant 0 : i32
      %dma_wait3A_74 = arith.constant 0 : i32
      %dma_wait3A_75 = tpu.memref_slice %arg3[%dma_wait3A_73, %dma_wait3A_74] : memref<1000000x64xf32, #tpu.memory_space<hbm>> -> memref<1000000x64xf32, #tpu.memory_space<hbm>>
      tpu.wait_indirect_dma semaphore(%arg7 : memref<!tpu.dma_semaphore, #tpu.memory_space<semaphore_mem>>) src(%dma_wait3A_75 : memref<1000000x64xf32, #tpu.memory_space<hbm>>) dst(%dma_wait3A_69 : memref<128x64xf32, #tpu.memory_space<vmem>>)
      %ge3A = arith.constant 2 : i32
      %ge3A_76 = arith.cmpi sge, %add3A_64, %ge3A : i32
      %convert_element_type3A = arith.extui %ge3A_76 : i1 to i32
      %cond3A = arith.constant 0 : i32
      %cond3A_77 = arith.cmpi ne, %convert_element_type3A, %cond3A : i32
      scf.if %cond3A_77 {
        %sub3A = arith.constant 2 : i32
        %sub3A_223 = arith.subi %add3A_64, %sub3A : i32
        %mul3A_224 = arith.constant 4096 : i32
        %mul3A_225 = arith.muli %sub3A_223, %mul3A_224 : i32
        %add3A_226 = arith.addi %mul3A_225, %mul3A_2 : i32
        %dma_wait3A_227 = arith.constant 2 : i32
        %dma_wait3A_228 = arith.constant 0 : i32
        %dma_wait3A_229 = arith.constant 0 : i32
        %dma_wait3A_230 = tpu.memref_slice %arg6[%dma_wait3A_227, %dma_wait3A_228, %dma_wait3A_229] : memref<4x128x64xf32, #tpu.memory_space<vmem>> -> memref<1x128x64xf32, #tpu.memory_space<vmem>>
        %dma_wait3A_231 = tpu.memref_squeeze %dma_wait3A_230 : memref<1x128x64xf32, #tpu.memory_space<vmem>> -> memref<128x64xf32, #tpu.memory_space<vmem>>
        %dma_wait3A_232 = arith.constant 0 : i32
        %dma_wait3A_233 = tpu.memref_slice %arg4[%add3A_226, %dma_wait3A_232] : memref<819200x128xf32, #tpu.memory_space<hbm>> -> memref<128x64xf32, #tpu.memory_space<hbm>>
        %dma_wait3A_234 = arith.constant 0 : i32
        %dma_wait3A_235 = tpu.memref_slice %arg4[%add3A_226, %dma_wait3A_234] : memref<819200x128xf32, #tpu.memory_space<hbm>> -> memref<128x64xf32, #tpu.memory_space<hbm>>
        %dma_wait3A_236 = arith.constant 0 : i32
        %dma_wait3A_237 = arith.constant 0 : i32
        %dma_wait3A_238 = tpu.memref_slice %arg6[%dma_wait3A_227, %dma_wait3A_236, %dma_wait3A_237] : memref<4x128x64xf32, #tpu.memory_space<vmem>> -> memref<1x128x64xf32, #tpu.memory_space<vmem>>
        %dma_wait3A_239 = tpu.memref_squeeze %dma_wait3A_238 : memref<1x128x64xf32, #tpu.memory_space<vmem>> -> memref<128x64xf32, #tpu.memory_space<vmem>>
        tpu.wait_dma2 semaphore(%arg13 : memref<!tpu.dma_semaphore, #tpu.memory_space<semaphore_mem>>) src(%dma_wait3A_239 : memref<128x64xf32, #tpu.memory_space<vmem>>) dst(%dma_wait3A_235 : memref<128x64xf32, #tpu.memory_space<hbm>>)
      } else {
      }
      %add3A_78 = arith.constant 2 : i32
      %add3A_79 = arith.addi %add3A_64, %add3A_78 : i32
      %lt3A = arith.constant 200 : i32
      %lt3A_80 = arith.cmpi slt, %add3A_79, %lt3A : i32
      %convert_element_type3A_81 = arith.extui %lt3A_80 : i1 to i32
      %cond3A_82 = arith.constant 0 : i32
      %cond3A_83 = arith.cmpi ne, %convert_element_type3A_81, %cond3A_82 : i32
      scf.if %cond3A_83 {
        %add3A_223 = arith.constant 2 : i32
        %add3A_224 = arith.addi %add3A_64, %add3A_223 : i32
        %dma_start3A_225 = arith.constant 2 : i32
        %dma_start3A_226 = arith.constant 0 : i32
        %dma_start3A_227 = arith.constant 0 : i32
        %dma_start3A_228 = tpu.memref_slice %arg6[%dma_start3A_225, %dma_start3A_226, %dma_start3A_227] : memref<4x128x64xf32, #tpu.memory_space<vmem>> -> memref<1x128x64xf32, #tpu.memory_space<vmem>>
        %dma_start3A_229 = tpu.memref_squeeze %dma_start3A_228 : memref<1x128x64xf32, #tpu.memory_space<vmem>> -> memref<128x64xf32, #tpu.memory_space<vmem>>
        %dma_start3A_230 = arith.constant 0 : i32
        %dma_start3A_231 = tpu.memref_slice %arg5[%add3A_224, %dma_start3A_230] : memref<200x128xi32, #tpu.memory_space<vmem>> -> memref<1x128xi32, #tpu.memory_space<vmem>>
        %dma_start3A_232 = tpu.memref_squeeze %dma_start3A_231 : memref<1x128xi32, #tpu.memory_space<vmem>> -> memref<128xi32, #tpu.memory_space<vmem>>
        %dma_start3A_233 = arith.constant 0 : i32
        %dma_start3A_234 = arith.constant 0 : i32
        %dma_start3A_235 = tpu.memref_slice %arg3[%dma_start3A_233, %dma_start3A_234] : memref<1000000x64xf32, #tpu.memory_space<hbm>> -> memref<1000000x64xf32, #tpu.memory_space<hbm>>
        tpu.enqueue_indirect_dma source(%dma_start3A_235 : memref<1000000x64xf32, #tpu.memory_space<hbm>>) target(%dma_start3A_229 : memref<128x64xf32, #tpu.memory_space<vmem>>) offsets(%dma_start3A_232 : memref<128xi32, #tpu.memory_space<vmem>>) semaphore(%arg9 : memref<!tpu.dma_semaphore, #tpu.memory_space<semaphore_mem>>)
      } else {
      }
      %mul3A_84 = arith.constant 4096 : i32
      %mul3A_85 = arith.muli %add3A_64, %mul3A_84 : i32
      %add3A_86 = arith.addi %mul3A_85, %mul3A_2 : i32
      %dma_start3A_87 = arith.constant 0 : i32
      %dma_start3A_88 = arith.constant 0 : i32
      %dma_start3A_89 = arith.constant 0 : i32
      %dma_start3A_90 = tpu.memref_slice %arg6[%dma_start3A_87, %dma_start3A_88, %dma_start3A_89] : memref<4x128x64xf32, #tpu.memory_space<vmem>> -> memref<1x128x64xf32, #tpu.memory_space<vmem>>
      %dma_start3A_91 = tpu.memref_squeeze %dma_start3A_90 : memref<1x128x64xf32, #tpu.memory_space<vmem>> -> memref<128x64xf32, #tpu.memory_space<vmem>>
      %dma_start3A_92 = arith.constant 0 : i32
      %dma_start3A_93 = tpu.memref_slice %arg4[%add3A_86, %dma_start3A_92] : memref<819200x128xf32, #tpu.memory_space<hbm>> -> memref<128x64xf32, #tpu.memory_space<hbm>>
      %dma_start3A_94 = arith.constant 0 : i32
      %dma_start3A_95 = tpu.memref_slice %arg4[%add3A_86, %dma_start3A_94] : memref<819200x128xf32, #tpu.memory_space<hbm>> -> memref<128x64xf32, #tpu.memory_space<hbm>>
      %dma_start3A_96 = arith.constant 0 : i32
      %dma_start3A_97 = arith.constant 0 : i32
      %dma_start3A_98 = tpu.memref_slice %arg6[%dma_start3A_87, %dma_start3A_96, %dma_start3A_97] : memref<4x128x64xf32, #tpu.memory_space<vmem>> -> memref<1x128x64xf32, #tpu.memory_space<vmem>>
      %dma_start3A_99 = tpu.memref_squeeze %dma_start3A_98 : memref<1x128x64xf32, #tpu.memory_space<vmem>> -> memref<128x64xf32, #tpu.memory_space<vmem>>
      tpu.enqueue_dma source(%dma_start3A_99 : memref<128x64xf32, #tpu.memory_space<vmem>>) target(%dma_start3A_95 : memref<128x64xf32, #tpu.memory_space<hbm>>) target_semaphore(%arg11 : memref<!tpu.dma_semaphore, #tpu.memory_space<semaphore_mem>>)
      %add3A_100 = arith.constant 1 : i32
      %add3A_101 = arith.addi %mul3A_62, %add3A_100 : i32
      %dma_wait3A_102 = arith.constant 1 : i32
      %dma_wait3A_103 = arith.constant 0 : i32
      %dma_wait3A_104 = arith.constant 0 : i32
      %dma_wait3A_105 = tpu.memref_slice %arg6[%dma_wait3A_102, %dma_wait3A_103, %dma_wait3A_104] : memref<4x128x64xf32, #tpu.memory_space<vmem>> -> memref<1x128x64xf32, #tpu.memory_space<vmem>>
      %dma_wait3A_106 = tpu.memref_squeeze %dma_wait3A_105 : memref<1x128x64xf32, #tpu.memory_space<vmem>> -> memref<128x64xf32, #tpu.memory_space<vmem>>
      %dma_wait3A_107 = arith.constant 0 : i32
      %dma_wait3A_108 = tpu.memref_slice %arg5[%add3A_101, %dma_wait3A_107] : memref<200x128xi32, #tpu.memory_space<vmem>> -> memref<1x128xi32, #tpu.memory_space<vmem>>
      %dma_wait3A_109 = tpu.memref_squeeze %dma_wait3A_108 : memref<1x128xi32, #tpu.memory_space<vmem>> -> memref<128xi32, #tpu.memory_space<vmem>>
      %dma_wait3A_110 = arith.constant 0 : i32
      %dma_wait3A_111 = arith.constant 0 : i32
      %dma_wait3A_112 = tpu.memref_slice %arg3[%dma_wait3A_110, %dma_wait3A_111] : memref<1000000x64xf32, #tpu.memory_space<hbm>> -> memref<1000000x64xf32, #tpu.memory_space<hbm>>
      tpu.wait_indirect_dma semaphore(%arg8 : memref<!tpu.dma_semaphore, #tpu.memory_space<semaphore_mem>>) src(%dma_wait3A_112 : memref<1000000x64xf32, #tpu.memory_space<hbm>>) dst(%dma_wait3A_106 : memref<128x64xf32, #tpu.memory_space<vmem>>)
      %ge3A_113 = arith.constant 2 : i32
      %ge3A_114 = arith.cmpi sge, %add3A_101, %ge3A_113 : i32
      %convert_element_type3A_115 = arith.extui %ge3A_114 : i1 to i32
      %cond3A_116 = arith.constant 0 : i32
      %cond3A_117 = arith.cmpi ne, %convert_element_type3A_115, %cond3A_116 : i32
      scf.if %cond3A_117 {
        %sub3A = arith.constant 2 : i32
        %sub3A_223 = arith.subi %add3A_101, %sub3A : i32
        %mul3A_224 = arith.constant 4096 : i32
        %mul3A_225 = arith.muli %sub3A_223, %mul3A_224 : i32
        %add3A_226 = arith.addi %mul3A_225, %mul3A_2 : i32
        %dma_wait3A_227 = arith.constant 3 : i32
        %dma_wait3A_228 = arith.constant 0 : i32
        %dma_wait3A_229 = arith.constant 0 : i32
        %dma_wait3A_230 = tpu.memref_slice %arg6[%dma_wait3A_227, %dma_wait3A_228, %dma_wait3A_229] : memref<4x128x64xf32, #tpu.memory_space<vmem>> -> memref<1x128x64xf32, #tpu.memory_space<vmem>>
        %dma_wait3A_231 = tpu.memref_squeeze %dma_wait3A_230 : memref<1x128x64xf32, #tpu.memory_space<vmem>> -> memref<128x64xf32, #tpu.memory_space<vmem>>
        %dma_wait3A_232 = arith.constant 0 : i32
        %dma_wait3A_233 = tpu.memref_slice %arg4[%add3A_226, %dma_wait3A_232] : memref<819200x128xf32, #tpu.memory_space<hbm>> -> memref<128x64xf32, #tpu.memory_space<hbm>>
        %dma_wait3A_234 = arith.constant 0 : i32
        %dma_wait3A_235 = tpu.memref_slice %arg4[%add3A_226, %dma_wait3A_234] : memref<819200x128xf32, #tpu.memory_space<hbm>> -> memref<128x64xf32, #tpu.memory_space<hbm>>
        %dma_wait3A_236 = arith.constant 0 : i32
        %dma_wait3A_237 = arith.constant 0 : i32
        %dma_wait3A_238 = tpu.memref_slice %arg6[%dma_wait3A_227, %dma_wait3A_236, %dma_wait3A_237] : memref<4x128x64xf32, #tpu.memory_space<vmem>> -> memref<1x128x64xf32, #tpu.memory_space<vmem>>
        %dma_wait3A_239 = tpu.memref_squeeze %dma_wait3A_238 : memref<1x128x64xf32, #tpu.memory_space<vmem>> -> memref<128x64xf32, #tpu.memory_space<vmem>>
        tpu.wait_dma2 semaphore(%arg14 : memref<!tpu.dma_semaphore, #tpu.memory_space<semaphore_mem>>) src(%dma_wait3A_239 : memref<128x64xf32, #tpu.memory_space<vmem>>) dst(%dma_wait3A_235 : memref<128x64xf32, #tpu.memory_space<hbm>>)
      } else {
      }
      %add3A_118 = arith.constant 2 : i32
      %add3A_119 = arith.addi %add3A_101, %add3A_118 : i32
      %lt3A_120 = arith.constant 200 : i32
      %lt3A_121 = arith.cmpi slt, %add3A_119, %lt3A_120 : i32
      %convert_element_type3A_122 = arith.extui %lt3A_121 : i1 to i32
      %cond3A_123 = arith.constant 0 : i32
      %cond3A_124 = arith.cmpi ne, %convert_element_type3A_122, %cond3A_123 : i32
      scf.if %cond3A_124 {
        %add3A_223 = arith.constant 2 : i32
        %add3A_224 = arith.addi %add3A_101, %add3A_223 : i32
        %dma_start3A_225 = arith.constant 3 : i32
        %dma_start3A_226 = arith.constant 0 : i32
        %dma_start3A_227 = arith.constant 0 : i32
        %dma_start3A_228 = tpu.memref_slice %arg6[%dma_start3A_225, %dma_start3A_226, %dma_start3A_227] : memref<4x128x64xf32, #tpu.memory_space<vmem>> -> memref<1x128x64xf32, #tpu.memory_space<vmem>>
        %dma_start3A_229 = tpu.memref_squeeze %dma_start3A_228 : memref<1x128x64xf32, #tpu.memory_space<vmem>> -> memref<128x64xf32, #tpu.memory_space<vmem>>
        %dma_start3A_230 = arith.constant 0 : i32
        %dma_start3A_231 = tpu.memref_slice %arg5[%add3A_224, %dma_start3A_230] : memref<200x128xi32, #tpu.memory_space<vmem>> -> memref<1x128xi32, #tpu.memory_space<vmem>>
        %dma_start3A_232 = tpu.memref_squeeze %dma_start3A_231 : memref<1x128xi32, #tpu.memory_space<vmem>> -> memref<128xi32, #tpu.memory_space<vmem>>
        %dma_start3A_233 = arith.constant 0 : i32
        %dma_start3A_234 = arith.constant 0 : i32
        %dma_start3A_235 = tpu.memref_slice %arg3[%dma_start3A_233, %dma_start3A_234] : memref<1000000x64xf32, #tpu.memory_space<hbm>> -> memref<1000000x64xf32, #tpu.memory_space<hbm>>
        tpu.enqueue_indirect_dma source(%dma_start3A_235 : memref<1000000x64xf32, #tpu.memory_space<hbm>>) target(%dma_start3A_229 : memref<128x64xf32, #tpu.memory_space<vmem>>) offsets(%dma_start3A_232 : memref<128xi32, #tpu.memory_space<vmem>>) semaphore(%arg10 : memref<!tpu.dma_semaphore, #tpu.memory_space<semaphore_mem>>)
      } else {
      }
      %mul3A_125 = arith.constant 4096 : i32
      %mul3A_126 = arith.muli %add3A_101, %mul3A_125 : i32
      %add3A_127 = arith.addi %mul3A_126, %mul3A_2 : i32
      %dma_start3A_128 = arith.constant 1 : i32
      %dma_start3A_129 = arith.constant 0 : i32
      %dma_start3A_130 = arith.constant 0 : i32
      %dma_start3A_131 = tpu.memref_slice %arg6[%dma_start3A_128, %dma_start3A_129, %dma_start3A_130] : memref<4x128x64xf32, #tpu.memory_space<vmem>> -> memref<1x128x64xf32, #tpu.memory_space<vmem>>
      %dma_start3A_132 = tpu.memref_squeeze %dma_start3A_131 : memref<1x128x64xf32, #tpu.memory_space<vmem>> -> memref<128x64xf32, #tpu.memory_space<vmem>>
      %dma_start3A_133 = arith.constant 0 : i32
      %dma_start3A_134 = tpu.memref_slice %arg4[%add3A_127, %dma_start3A_133] : memref<819200x128xf32, #tpu.memory_space<hbm>> -> memref<128x64xf32, #tpu.memory_space<hbm>>
      %dma_start3A_135 = arith.constant 0 : i32
      %dma_start3A_136 = tpu.memref_slice %arg4[%add3A_127, %dma_start3A_135] : memref<819200x128xf32, #tpu.memory_space<hbm>> -> memref<128x64xf32, #tpu.memory_space<hbm>>
      %dma_start3A_137 = arith.constant 0 : i32
      %dma_start3A_138 = arith.constant 0 : i32
      %dma_start3A_139 = tpu.memref_slice %arg6[%dma_start3A_128, %dma_start3A_137, %dma_start3A_138] : memref<4x128x64xf32, #tpu.memory_space<vmem>> -> memref<1x128x64xf32, #tpu.memory_space<vmem>>
      %dma_start3A_140 = tpu.memref_squeeze %dma_start3A_139 : memref<1x128x64xf32, #tpu.memory_space<vmem>> -> memref<128x64xf32, #tpu.memory_space<vmem>>
      tpu.enqueue_dma source(%dma_start3A_140 : memref<128x64xf32, #tpu.memory_space<vmem>>) target(%dma_start3A_136 : memref<128x64xf32, #tpu.memory_space<hbm>>) target_semaphore(%arg12 : memref<!tpu.dma_semaphore, #tpu.memory_space<semaphore_mem>>)
      %add3A_141 = arith.constant 2 : i32
      %add3A_142 = arith.addi %mul3A_62, %add3A_141 : i32
      %dma_wait3A_143 = arith.constant 2 : i32
      %dma_wait3A_144 = arith.constant 0 : i32
      %dma_wait3A_145 = arith.constant 0 : i32
      %dma_wait3A_146 = tpu.memref_slice %arg6[%dma_wait3A_143, %dma_wait3A_144, %dma_wait3A_145] : memref<4x128x64xf32, #tpu.memory_space<vmem>> -> memref<1x128x64xf32, #tpu.memory_space<vmem>>
      %dma_wait3A_147 = tpu.memref_squeeze %dma_wait3A_146 : memref<1x128x64xf32, #tpu.memory_space<vmem>> -> memref<128x64xf32, #tpu.memory_space<vmem>>
      %dma_wait3A_148 = arith.constant 0 : i32
      %dma_wait3A_149 = tpu.memref_slice %arg5[%add3A_142, %dma_wait3A_148] : memref<200x128xi32, #tpu.memory_space<vmem>> -> memref<1x128xi32, #tpu.memory_space<vmem>>
      %dma_wait3A_150 = tpu.memref_squeeze %dma_wait3A_149 : memref<1x128xi32, #tpu.memory_space<vmem>> -> memref<128xi32, #tpu.memory_space<vmem>>
      %dma_wait3A_151 = arith.constant 0 : i32
      %dma_wait3A_152 = arith.constant 0 : i32
      %dma_wait3A_153 = tpu.memref_slice %arg3[%dma_wait3A_151, %dma_wait3A_152] : memref<1000000x64xf32, #tpu.memory_space<hbm>> -> memref<1000000x64xf32, #tpu.memory_space<hbm>>
      tpu.wait_indirect_dma semaphore(%arg9 : memref<!tpu.dma_semaphore, #tpu.memory_space<semaphore_mem>>) src(%dma_wait3A_153 : memref<1000000x64xf32, #tpu.memory_space<hbm>>) dst(%dma_wait3A_147 : memref<128x64xf32, #tpu.memory_space<vmem>>)
      %ge3A_154 = arith.constant 2 : i32
      %ge3A_155 = arith.cmpi sge, %add3A_142, %ge3A_154 : i32
      %convert_element_type3A_156 = arith.extui %ge3A_155 : i1 to i32
      %cond3A_157 = arith.constant 0 : i32
      %cond3A_158 = arith.cmpi ne, %convert_element_type3A_156, %cond3A_157 : i32
      scf.if %cond3A_158 {
        %sub3A = arith.constant 2 : i32
        %sub3A_223 = arith.subi %add3A_142, %sub3A : i32
        %mul3A_224 = arith.constant 4096 : i32
        %mul3A_225 = arith.muli %sub3A_223, %mul3A_224 : i32
        %add3A_226 = arith.addi %mul3A_225, %mul3A_2 : i32
        %dma_wait3A_227 = arith.constant 0 : i32
        %dma_wait3A_228 = arith.constant 0 : i32
        %dma_wait3A_229 = arith.constant 0 : i32
        %dma_wait3A_230 = tpu.memref_slice %arg6[%dma_wait3A_227, %dma_wait3A_228, %dma_wait3A_229] : memref<4x128x64xf32, #tpu.memory_space<vmem>> -> memref<1x128x64xf32, #tpu.memory_space<vmem>>
        %dma_wait3A_231 = tpu.memref_squeeze %dma_wait3A_230 : memref<1x128x64xf32, #tpu.memory_space<vmem>> -> memref<128x64xf32, #tpu.memory_space<vmem>>
        %dma_wait3A_232 = arith.constant 0 : i32
        %dma_wait3A_233 = tpu.memref_slice %arg4[%add3A_226, %dma_wait3A_232] : memref<819200x128xf32, #tpu.memory_space<hbm>> -> memref<128x64xf32, #tpu.memory_space<hbm>>
        %dma_wait3A_234 = arith.constant 0 : i32
        %dma_wait3A_235 = tpu.memref_slice %arg4[%add3A_226, %dma_wait3A_234] : memref<819200x128xf32, #tpu.memory_space<hbm>> -> memref<128x64xf32, #tpu.memory_space<hbm>>
        %dma_wait3A_236 = arith.constant 0 : i32
        %dma_wait3A_237 = arith.constant 0 : i32
        %dma_wait3A_238 = tpu.memref_slice %arg6[%dma_wait3A_227, %dma_wait3A_236, %dma_wait3A_237] : memref<4x128x64xf32, #tpu.memory_space<vmem>> -> memref<1x128x64xf32, #tpu.memory_space<vmem>>
        %dma_wait3A_239 = tpu.memref_squeeze %dma_wait3A_238 : memref<1x128x64xf32, #tpu.memory_space<vmem>> -> memref<128x64xf32, #tpu.memory_space<vmem>>
        tpu.wait_dma2 semaphore(%arg11 : memref<!tpu.dma_semaphore, #tpu.memory_space<semaphore_mem>>) src(%dma_wait3A_239 : memref<128x64xf32, #tpu.memory_space<vmem>>) dst(%dma_wait3A_235 : memref<128x64xf32, #tpu.memory_space<hbm>>)
      } else {
      }
      %add3A_159 = arith.constant 2 : i32
      %add3A_160 = arith.addi %add3A_142, %add3A_159 : i32
      %lt3A_161 = arith.constant 200 : i32
      %lt3A_162 = arith.cmpi slt, %add3A_160, %lt3A_161 : i32
      %convert_element_type3A_163 = arith.extui %lt3A_162 : i1 to i32
      %cond3A_164 = arith.constant 0 : i32
      %cond3A_165 = arith.cmpi ne, %convert_element_type3A_163, %cond3A_164 : i32
      scf.if %cond3A_165 {
        %add3A_223 = arith.constant 2 : i32
        %add3A_224 = arith.addi %add3A_142, %add3A_223 : i32
        %dma_start3A_225 = arith.constant 0 : i32
        %dma_start3A_226 = arith.constant 0 : i32
        %dma_start3A_227 = arith.constant 0 : i32
        %dma_start3A_228 = tpu.memref_slice %arg6[%dma_start3A_225, %dma_start3A_226, %dma_start3A_227] : memref<4x128x64xf32, #tpu.memory_space<vmem>> -> memref<1x128x64xf32, #tpu.memory_space<vmem>>
        %dma_start3A_229 = tpu.memref_squeeze %dma_start3A_228 : memref<1x128x64xf32, #tpu.memory_space<vmem>> -> memref<128x64xf32, #tpu.memory_space<vmem>>
        %dma_start3A_230 = arith.constant 0 : i32
        %dma_start3A_231 = tpu.memref_slice %arg5[%add3A_224, %dma_start3A_230] : memref<200x128xi32, #tpu.memory_space<vmem>> -> memref<1x128xi32, #tpu.memory_space<vmem>>
        %dma_start3A_232 = tpu.memref_squeeze %dma_start3A_231 : memref<1x128xi32, #tpu.memory_space<vmem>> -> memref<128xi32, #tpu.memory_space<vmem>>
        %dma_start3A_233 = arith.constant 0 : i32
        %dma_start3A_234 = arith.constant 0 : i32
        %dma_start3A_235 = tpu.memref_slice %arg3[%dma_start3A_233, %dma_start3A_234] : memref<1000000x64xf32, #tpu.memory_space<hbm>> -> memref<1000000x64xf32, #tpu.memory_space<hbm>>
        tpu.enqueue_indirect_dma source(%dma_start3A_235 : memref<1000000x64xf32, #tpu.memory_space<hbm>>) target(%dma_start3A_229 : memref<128x64xf32, #tpu.memory_space<vmem>>) offsets(%dma_start3A_232 : memref<128xi32, #tpu.memory_space<vmem>>) semaphore(%arg7 : memref<!tpu.dma_semaphore, #tpu.memory_space<semaphore_mem>>)
      } else {
      }
      %mul3A_166 = arith.constant 4096 : i32
      %mul3A_167 = arith.muli %add3A_142, %mul3A_166 : i32
      %add3A_168 = arith.addi %mul3A_167, %mul3A_2 : i32
      %dma_start3A_169 = arith.constant 2 : i32
      %dma_start3A_170 = arith.constant 0 : i32
      %dma_start3A_171 = arith.constant 0 : i32
      %dma_start3A_172 = tpu.memref_slice %arg6[%dma_start3A_169, %dma_start3A_170, %dma_start3A_171] : memref<4x128x64xf32, #tpu.memory_space<vmem>> -> memref<1x128x64xf32, #tpu.memory_space<vmem>>
      %dma_start3A_173 = tpu.memref_squeeze %dma_start3A_172 : memref<1x128x64xf32, #tpu.memory_space<vmem>> -> memref<128x64xf32, #tpu.memory_space<vmem>>
      %dma_start3A_174 = arith.constant 0 : i32
      %dma_start3A_175 = tpu.memref_slice %arg4[%add3A_168, %dma_start3A_174] : memref<819200x128xf32, #tpu.memory_space<hbm>> -> memref<128x64xf32, #tpu.memory_space<hbm>>
      %dma_start3A_176 = arith.constant 0 : i32
      %dma_start3A_177 = tpu.memref_slice %arg4[%add3A_168, %dma_start3A_176] : memref<819200x128xf32, #tpu.memory_space<hbm>> -> memref<128x64xf32, #tpu.memory_space<hbm>>
      %dma_start3A_178 = arith.constant 0 : i32
      %dma_start3A_179 = arith.constant 0 : i32
      %dma_start3A_180 = tpu.memref_slice %arg6[%dma_start3A_169, %dma_start3A_178, %dma_start3A_179] : memref<4x128x64xf32, #tpu.memory_space<vmem>> -> memref<1x128x64xf32, #tpu.memory_space<vmem>>
      %dma_start3A_181 = tpu.memref_squeeze %dma_start3A_180 : memref<1x128x64xf32, #tpu.memory_space<vmem>> -> memref<128x64xf32, #tpu.memory_space<vmem>>
      tpu.enqueue_dma source(%dma_start3A_181 : memref<128x64xf32, #tpu.memory_space<vmem>>) target(%dma_start3A_177 : memref<128x64xf32, #tpu.memory_space<hbm>>) target_semaphore(%arg13 : memref<!tpu.dma_semaphore, #tpu.memory_space<semaphore_mem>>)
      %add3A_182 = arith.constant 3 : i32
      %add3A_183 = arith.addi %mul3A_62, %add3A_182 : i32
      %dma_wait3A_184 = arith.constant 3 : i32
      %dma_wait3A_185 = arith.constant 0 : i32
      %dma_wait3A_186 = arith.constant 0 : i32
      %dma_wait3A_187 = tpu.memref_slice %arg6[%dma_wait3A_184, %dma_wait3A_185, %dma_wait3A_186] : memref<4x128x64xf32, #tpu.memory_space<vmem>> -> memref<1x128x64xf32, #tpu.memory_space<vmem>>
      %dma_wait3A_188 = tpu.memref_squeeze %dma_wait3A_187 : memref<1x128x64xf32, #tpu.memory_space<vmem>> -> memref<128x64xf32, #tpu.memory_space<vmem>>
      %dma_wait3A_189 = arith.constant 0 : i32
      %dma_wait3A_190 = tpu.memref_slice %arg5[%add3A_183, %dma_wait3A_189] : memref<200x128xi32, #tpu.memory_space<vmem>> -> memref<1x128xi32, #tpu.memory_space<vmem>>
      %dma_wait3A_191 = tpu.memref_squeeze %dma_wait3A_190 : memref<1x128xi32, #tpu.memory_space<vmem>> -> memref<128xi32, #tpu.memory_space<vmem>>
      %dma_wait3A_192 = arith.constant 0 : i32
      %dma_wait3A_193 = arith.constant 0 : i32
      %dma_wait3A_194 = tpu.memref_slice %arg3[%dma_wait3A_192, %dma_wait3A_193] : memref<1000000x64xf32, #tpu.memory_space<hbm>> -> memref<1000000x64xf32, #tpu.memory_space<hbm>>
      tpu.wait_indirect_dma semaphore(%arg10 : memref<!tpu.dma_semaphore, #tpu.memory_space<semaphore_mem>>) src(%dma_wait3A_194 : memref<1000000x64xf32, #tpu.memory_space<hbm>>) dst(%dma_wait3A_188 : memref<128x64xf32, #tpu.memory_space<vmem>>)
      %ge3A_195 = arith.constant 2 : i32
      %ge3A_196 = arith.cmpi sge, %add3A_183, %ge3A_195 : i32
      %convert_element_type3A_197 = arith.extui %ge3A_196 : i1 to i32
      %cond3A_198 = arith.constant 0 : i32
      %cond3A_199 = arith.cmpi ne, %convert_element_type3A_197, %cond3A_198 : i32
      scf.if %cond3A_199 {
        %sub3A = arith.constant 2 : i32
        %sub3A_223 = arith.subi %add3A_183, %sub3A : i32
        %mul3A_224 = arith.constant 4096 : i32
        %mul3A_225 = arith.muli %sub3A_223, %mul3A_224 : i32
        %add3A_226 = arith.addi %mul3A_225, %mul3A_2 : i32
        %dma_wait3A_227 = arith.constant 1 : i32
        %dma_wait3A_228 = arith.constant 0 : i32
        %dma_wait3A_229 = arith.constant 0 : i32
        %dma_wait3A_230 = tpu.memref_slice %arg6[%dma_wait3A_227, %dma_wait3A_228, %dma_wait3A_229] : memref<4x128x64xf32, #tpu.memory_space<vmem>> -> memref<1x128x64xf32, #tpu.memory_space<vmem>>
        %dma_wait3A_231 = tpu.memref_squeeze %dma_wait3A_230 : memref<1x128x64xf32, #tpu.memory_space<vmem>> -> memref<128x64xf32, #tpu.memory_space<vmem>>
        %dma_wait3A_232 = arith.constant 0 : i32
        %dma_wait3A_233 = tpu.memref_slice %arg4[%add3A_226, %dma_wait3A_232] : memref<819200x128xf32, #tpu.memory_space<hbm>> -> memref<128x64xf32, #tpu.memory_space<hbm>>
        %dma_wait3A_234 = arith.constant 0 : i32
        %dma_wait3A_235 = tpu.memref_slice %arg4[%add3A_226, %dma_wait3A_234] : memref<819200x128xf32, #tpu.memory_space<hbm>> -> memref<128x64xf32, #tpu.memory_space<hbm>>
        %dma_wait3A_236 = arith.constant 0 : i32
        %dma_wait3A_237 = arith.constant 0 : i32
        %dma_wait3A_238 = tpu.memref_slice %arg6[%dma_wait3A_227, %dma_wait3A_236, %dma_wait3A_237] : memref<4x128x64xf32, #tpu.memory_space<vmem>> -> memref<1x128x64xf32, #tpu.memory_space<vmem>>
        %dma_wait3A_239 = tpu.memref_squeeze %dma_wait3A_238 : memref<1x128x64xf32, #tpu.memory_space<vmem>> -> memref<128x64xf32, #tpu.memory_space<vmem>>
        tpu.wait_dma2 semaphore(%arg12 : memref<!tpu.dma_semaphore, #tpu.memory_space<semaphore_mem>>) src(%dma_wait3A_239 : memref<128x64xf32, #tpu.memory_space<vmem>>) dst(%dma_wait3A_235 : memref<128x64xf32, #tpu.memory_space<hbm>>)
      } else {
      }
      %add3A_200 = arith.constant 2 : i32
      %add3A_201 = arith.addi %add3A_183, %add3A_200 : i32
      %lt3A_202 = arith.constant 200 : i32
      %lt3A_203 = arith.cmpi slt, %add3A_201, %lt3A_202 : i32
      %convert_element_type3A_204 = arith.extui %lt3A_203 : i1 to i32
      %cond3A_205 = arith.constant 0 : i32
      %cond3A_206 = arith.cmpi ne, %convert_element_type3A_204, %cond3A_205 : i32
      scf.if %cond3A_206 {
        %add3A_223 = arith.constant 2 : i32
        %add3A_224 = arith.addi %add3A_183, %add3A_223 : i32
        %dma_start3A_225 = arith.constant 1 : i32
        %dma_start3A_226 = arith.constant 0 : i32
        %dma_start3A_227 = arith.constant 0 : i32
        %dma_start3A_228 = tpu.memref_slice %arg6[%dma_start3A_225, %dma_start3A_226, %dma_start3A_227] : memref<4x128x64xf32, #tpu.memory_space<vmem>> -> memref<1x128x64xf32, #tpu.memory_space<vmem>>
        %dma_start3A_229 = tpu.memref_squeeze %dma_start3A_228 : memref<1x128x64xf32, #tpu.memory_space<vmem>> -> memref<128x64xf32, #tpu.memory_space<vmem>>
        %dma_start3A_230 = arith.constant 0 : i32
        %dma_start3A_231 = tpu.memref_slice %arg5[%add3A_224, %dma_start3A_230] : memref<200x128xi32, #tpu.memory_space<vmem>> -> memref<1x128xi32, #tpu.memory_space<vmem>>
        %dma_start3A_232 = tpu.memref_squeeze %dma_start3A_231 : memref<1x128xi32, #tpu.memory_space<vmem>> -> memref<128xi32, #tpu.memory_space<vmem>>
        %dma_start3A_233 = arith.constant 0 : i32
        %dma_start3A_234 = arith.constant 0 : i32
        %dma_start3A_235 = tpu.memref_slice %arg3[%dma_start3A_233, %dma_start3A_234] : memref<1000000x64xf32, #tpu.memory_space<hbm>> -> memref<1000000x64xf32, #tpu.memory_space<hbm>>
        tpu.enqueue_indirect_dma source(%dma_start3A_235 : memref<1000000x64xf32, #tpu.memory_space<hbm>>) target(%dma_start3A_229 : memref<128x64xf32, #tpu.memory_space<vmem>>) offsets(%dma_start3A_232 : memref<128xi32, #tpu.memory_space<vmem>>) semaphore(%arg8 : memref<!tpu.dma_semaphore, #tpu.memory_space<semaphore_mem>>)
      } else {
      }
      %mul3A_207 = arith.constant 4096 : i32
      %mul3A_208 = arith.muli %add3A_183, %mul3A_207 : i32
      %add3A_209 = arith.addi %mul3A_208, %mul3A_2 : i32
      %dma_start3A_210 = arith.constant 3 : i32
      %dma_start3A_211 = arith.constant 0 : i32
      %dma_start3A_212 = arith.constant 0 : i32
      %dma_start3A_213 = tpu.memref_slice %arg6[%dma_start3A_210, %dma_start3A_211, %dma_start3A_212] : memref<4x128x64xf32, #tpu.memory_space<vmem>> -> memref<1x128x64xf32, #tpu.memory_space<vmem>>
      %dma_start3A_214 = tpu.memref_squeeze %dma_start3A_213 : memref<1x128x64xf32, #tpu.memory_space<vmem>> -> memref<128x64xf32, #tpu.memory_space<vmem>>
      %dma_start3A_215 = arith.constant 0 : i32
      %dma_start3A_216 = tpu.memref_slice %arg4[%add3A_209, %dma_start3A_215] : memref<819200x128xf32, #tpu.memory_space<hbm>> -> memref<128x64xf32, #tpu.memory_space<hbm>>
      %dma_start3A_217 = arith.constant 0 : i32
      %dma_start3A_218 = tpu.memref_slice %arg4[%add3A_209, %dma_start3A_217] : memref<819200x128xf32, #tpu.memory_space<hbm>> -> memref<128x64xf32, #tpu.memory_space<hbm>>
      %dma_start3A_219 = arith.constant 0 : i32
      %dma_start3A_220 = arith.constant 0 : i32
      %dma_start3A_221 = tpu.memref_slice %arg6[%dma_start3A_210, %dma_start3A_219, %dma_start3A_220] : memref<4x128x64xf32, #tpu.memory_space<vmem>> -> memref<1x128x64xf32, #tpu.memory_space<vmem>>
      %dma_start3A_222 = tpu.memref_squeeze %dma_start3A_221 : memref<1x128x64xf32, #tpu.memory_space<vmem>> -> memref<128x64xf32, #tpu.memory_space<vmem>>
      tpu.enqueue_dma source(%dma_start3A_222 : memref<128x64xf32, #tpu.memory_space<vmem>>) target(%dma_start3A_218 : memref<128x64xf32, #tpu.memory_space<hbm>>) target_semaphore(%arg14 : memref<!tpu.dma_semaphore, #tpu.memory_space<semaphore_mem>>)
    }
    %scan3A_30 = arith.constant 50 : i32
    %add3A_31 = arith.constant 811008 : i32
    %add3A_32 = arith.addi %add3A_31, %mul3A_2 : i32
    %dma_wait3A = arith.constant 2 : i32
    %dma_wait3A_33 = arith.constant 0 : i32
    %dma_wait3A_34 = arith.constant 0 : i32
    %dma_wait3A_35 = tpu.memref_slice %arg6[%dma_wait3A, %dma_wait3A_33, %dma_wait3A_34] : memref<4x128x64xf32, #tpu.memory_space<vmem>> -> memref<1x128x64xf32, #tpu.memory_space<vmem>>
    %dma_wait3A_36 = tpu.memref_squeeze %dma_wait3A_35 : memref<1x128x64xf32, #tpu.memory_space<vmem>> -> memref<128x64xf32, #tpu.memory_space<vmem>>
    %dma_wait3A_37 = arith.constant 0 : i32
    %dma_wait3A_38 = tpu.memref_slice %arg4[%add3A_32, %dma_wait3A_37] : memref<819200x128xf32, #tpu.memory_space<hbm>> -> memref<128x64xf32, #tpu.memory_space<hbm>>
    %dma_wait3A_39 = arith.constant 0 : i32
    %dma_wait3A_40 = tpu.memref_slice %arg4[%add3A_32, %dma_wait3A_39] : memref<819200x128xf32, #tpu.memory_space<hbm>> -> memref<128x64xf32, #tpu.memory_space<hbm>>
    %dma_wait3A_41 = arith.constant 0 : i32
    %dma_wait3A_42 = arith.constant 0 : i32
    %dma_wait3A_43 = tpu.memref_slice %arg6[%dma_wait3A, %dma_wait3A_41, %dma_wait3A_42] : memref<4x128x64xf32, #tpu.memory_space<vmem>> -> memref<1x128x64xf32, #tpu.memory_space<vmem>>
    %dma_wait3A_44 = tpu.memref_squeeze %dma_wait3A_43 : memref<1x128x64xf32, #tpu.memory_space<vmem>> -> memref<128x64xf32, #tpu.memory_space<vmem>>
    tpu.wait_dma2 semaphore(%arg13 : memref<!tpu.dma_semaphore, #tpu.memory_space<semaphore_mem>>) src(%dma_wait3A_44 : memref<128x64xf32, #tpu.memory_space<vmem>>) dst(%dma_wait3A_40 : memref<128x64xf32, #tpu.memory_space<hbm>>)
    %add3A_45 = arith.constant 815104 : i32
    %add3A_46 = arith.addi %add3A_45, %mul3A_2 : i32
    %dma_wait3A_47 = arith.constant 3 : i32
    %dma_wait3A_48 = arith.constant 0 : i32
    %dma_wait3A_49 = arith.constant 0 : i32
    %dma_wait3A_50 = tpu.memref_slice %arg6[%dma_wait3A_47, %dma_wait3A_48, %dma_wait3A_49] : memref<4x128x64xf32, #tpu.memory_space<vmem>> -> memref<1x128x64xf32, #tpu.memory_space<vmem>>
    %dma_wait3A_51 = tpu.memref_squeeze %dma_wait3A_50 : memref<1x128x64xf32, #tpu.memory_space<vmem>> -> memref<128x64xf32, #tpu.memory_space<vmem>>
    %dma_wait3A_52 = arith.constant 0 : i32
    %dma_wait3A_53 = tpu.memref_slice %arg4[%add3A_46, %dma_wait3A_52] : memref<819200x128xf32, #tpu.memory_space<hbm>> -> memref<128x64xf32, #tpu.memory_space<hbm>>
    %dma_wait3A_54 = arith.constant 0 : i32
    %dma_wait3A_55 = tpu.memref_slice %arg4[%add3A_46, %dma_wait3A_54] : memref<819200x128xf32, #tpu.memory_space<hbm>> -> memref<128x64xf32, #tpu.memory_space<hbm>>
    %dma_wait3A_56 = arith.constant 0 : i32
    %dma_wait3A_57 = arith.constant 0 : i32
    %dma_wait3A_58 = tpu.memref_slice %arg6[%dma_wait3A_47, %dma_wait3A_56, %dma_wait3A_57] : memref<4x128x64xf32, #tpu.memory_space<vmem>> -> memref<1x128x64xf32, #tpu.memory_space<vmem>>
    %dma_wait3A_59 = tpu.memref_squeeze %dma_wait3A_58 : memref<1x128x64xf32, #tpu.memory_space<vmem>> -> memref<128x64xf32, #tpu.memory_space<vmem>>
    tpu.wait_dma2 semaphore(%arg14 : memref<!tpu.dma_semaphore, #tpu.memory_space<semaphore_mem>>) src(%dma_wait3A_59 : memref<128x64xf32, #tpu.memory_space<vmem>>) dst(%dma_wait3A_55 : memref<128x64xf32, #tpu.memory_space<hbm>>)
    return
  }
}

</mosaic_0001>

<sc_bundles>
// kernel: kernel.3.cloned.1.call-start
scs
__scs_entry_jumppad:
0x0: {  	(pc) =	sbr.rel $0x88, $3  }
0x1: {  	(tag) =	ssettag $0x0;
	lr =	simm.s32 $0x1  }
0x2: {  	[smem:$0x3F9F] =	sst lr;
	_ =	strace $0xD0000000  }
0x3: {  	_ = 	snop  }
0x4: {  	_ = 	snop  }
0x5: {  	_ = 	snop  }
0x6: {  	_ = 	snop  }
0x7: {  	_ = 	snop  }
__scs_overlays_trampoline_lowered:
0x8: {  	[smem:$0x3FAE] =	sst s0  }
0x9: {  	[smem:$0x3FAF] =	sst s1  }
0xa: {  	[smem:$0x3FB0] =	sst s2  }
0xb: {  	[smem:$0x3FB1] =	sst s3  }
0xc: {  	[smem:$0x3FB2] =	sst s4  }
0xd: {  	[smem:$0x3FB3] =	sst s5  }
0xe: {  	[smem:$0x3FB4] =	sst s6  }
0xf: {  	[smem:$0x3FB5] =	sst s7  }
0x10: {  	[smem:$0x3FB6] =	sst s8  }
0x11: {  	[smem:$0x3FB7] =	sst s9;
	s0 =	simm.s32 @!p0 $0x0  }
0x12: {  	s1 =	sld [smem:$0x3F9D];
	s0 =	simm.s32 @p0 $0x1  }
0x13: {  	[smem:$0x3FB8] =	sst s0;
	s0 =	simm.s32 @!p1 $0x0  }
0x14: {  	s2 =	sld [smem:$0x3F9C];
	s0 =	simm.s32 @p1 $0x1  }
0x15: {  	[smem:$0x3FB9] =	sst s0;
	s0 =	simm.s32 @!p2 $0x0  }
0x16: {  	s3 =	sld [smem:$0x3FDB];
	s0 =	simm.s32 @p2 $0x1  }
0x17: {  	s4 =	simm.s32 $0x1BF5;
	[smem:$0x3FBB] =	sst s0  }
0x18: {  	s0 =	sld [smem:$0x3F9E];
	_ =	swait.ge [sflag:s4], $0x0  }
0x19: {  	s7 =	sld [smem:$0x3F9F]  }
0x1a: {  	s8 =	sadd.s32 $0xFFFFE003, lr  }
0x1b: {  	s9 =	sadd.s32 $0xFFFFFEF7, lr;
	s5 =	simm.s32 $0xFFFFFFFF;
	p2 =	slt.u32 s8, $0xFFFFF086  }
0x1c: {  	p1 =	slt.u32 s9, $0xF7A;
	s5 =	simm.s32 @!p2 $0x0  }
0x1d: {  	s5 =	simm.s32 @p1 $0x1;
	p0 =	seq.s32 s7, s2  }
0x1e: {  	s7 =	smul.u32 @!p0 $0xF7A, s2;
	p2 =	seq.s32 @!p0 s5, $0x0  }
0x1f: {  	s9 =	smul.u32 $0xF7A, s1;
	s8 =	simm.s32 @!p0 $0x1BF5;
	p2 =	por !p2, p0  }
0x20: {  	[sflag:s8] =	ssyncset.s32 @!p0 $0xFFFFF086;
	s6 =	sadd.s32 @!p0 s3, s7;
	s7 =	simm.s32 @!p0 $0x108  }
0x21: {  	s3 =	sadd.s32 s3, s9;
	s6 =	sadd.s32 @!p0 $0x88, s6;
	s7 =	simm.s32 @p2 $0x1082  }
0x22: {  	[simem:s7], [sflag:s8] =	dma.local @!p0 [hbm:s6], $0xF7A  }
0x23: {  	s9 =	sor.u32 $0xD0000000, s2;
	s6 =	simm.s32 $0x108;
	_ =	swait.ge @!p0 [sflag:s8], $0x0  }
0x24: {  	s3 =	sadd.s32 $0x88, s3;
	s6 =	simm.s32 @!p1 $0x1082;
	[sflag:s4] =	ssyncset.s32 $0xFFFFF086  }
0x25: {  	[simem:s6], [sflag:s4] =	dma.local [hbm:s3], $0xF7A  }
0x26: {  	[smem:$0x3F9F] =	sst s1;
	(tag) =	ssettag s2;
	_ =	strace s9  }
0x27: {  	s1 =	sld [smem:$0x3FAF]  }
0x28: {  	s2 =	sld [smem:$0x3FB0]  }
0x29: {  	s4 =	sld [smem:$0x3FB2]  }
0x2a: {  	p0 =	seq.s32 s5, $0x0;
	s5 =	sld [smem:$0x3FB3]  }
0x2b: {  	s6 =	sld [smem:$0x3FB4]  }
0x2c: {  	s7 =	sld [smem:$0x3FB5]  }
0x2d: {  	s3 =	simm.s32 $0x108;
	s8 =	sld [smem:$0x3FB6]  }
0x2e: {  	s3 =	simm.s32 @!p0 $0x1082;
	s9 =	sld [smem:$0x3FB7]  }
0x2f: {  	lr =	sadd.s32 s0, s3;
	s0 =	sld [smem:$0x3FAE]  }
0x30: {  	s3 =	sld [smem:$0x3FB1]  }
0x31: {  	[smem:$0x3FBA] =	sst s10  }
0x32: {  	s10 =	sld [smem:$0x3FB8];
	_ =	sdelay $0x3  }
0x33: {  	p0 =	seq.s32 s10, $0x1;
	s10 =	sld [smem:$0x3FBA];
	_ =	sdelay $0x3  }
0x34: {  	[smem:$0x3FBA] =	sst s10  }
0x35: {  	s10 =	sld [smem:$0x3FB9];
	_ =	sdelay $0x3  }
0x36: {  	p1 =	seq.s32 s10, $0x1;
	s10 =	sld [smem:$0x3FBA];
	_ =	sdelay $0x3  }
0x37: {  	[smem:$0x3FBA] =	sst s10  }
0x38: {  	s10 =	sld [smem:$0x3FBB]  }
0x39: {  	_ = 	snop;
	(pc) =	sbr.ind lr, $3  }
0x3a: {  	_ = 	snop  }
0x3b: {  	_ = 	snop  }
0x3c: {  	p2 =	seq.s32 s10, $0x1;
	s10 =	sld [smem:$0x3FBA]  }
0x3d: {  	_ =	shalt  }
0x3e: {  	_ =	shalt  }
0x3f: {  	_ =	shalt  }
0x40: {  	_ =	shalt  }
0x41: {  	_ =	shalt  }
0x42: {  	_ =	shalt  }
0x43: {  	_ =	shalt  }
0x44: {  	_ =	shalt  }
0x45: {  	_ =	shalt  }
0x46: {  	_ =	shalt  }
0x47: {  	_ =	shalt  }
0x48: {  	_ =	shalt  }
0x49: {  	_ =	shalt  }
0x4a: {  	_ =	shalt  }
0x4b: {  	_ =	shalt  }
0x4c: {  	_ =	shalt  }
0x4d: {  	_ =	shalt  }
0x4e: {  	_ =	shalt  }
0x4f: {  	_ =	shalt  }
0x50: {  	_ =	shalt  }
0x51: {  	_ =	shalt  }
0x52: {  	_ =	shalt  }
0x53: {  	_ =	shalt  }
0x54: {  	_ =	shalt  }
0x55: {  	_ =	shalt  }
0x56: {  	_ =	shalt  }
0x57: {  	_ =	shalt  }
0x58: {  	_ =	shalt  }
0x59: {  	_ =	shalt  }
0x5a: {  	_ =	shalt  }
0x5b: {  	_ =	shalt  }
0x5c: {  	_ =	shalt  }
0x5d: {  	_ =	shalt  }
0x5e: {  	_ =	shalt  }
0x5f: {  	_ =	shalt  }
0x60: {  	_ =	shalt  }
0x61: {  	_ =	shalt  }
0x62: {  	_ =	shalt  }
0x63: {  	_ =	shalt  }
0x64: {  	_ =	shalt  }
0x65: {  	_ =	shalt  }
0x66: {  	_ =	shalt  }
0x67: {  	_ =	shalt  }
0x68: {  	_ =	shalt  }
0x69: {  	_ =	shalt  }
0x6a: {  	_ =	shalt  }
0x6b: {  	_ =	shalt  }
0x6c: {  	_ =	shalt  }
0x6d: {  	_ =	shalt  }
0x6e: {  	_ =	shalt  }
0x6f: {  	_ =	shalt  }
0x70: {  	_ =	shalt  }
0x71: {  	_ =	shalt  }
0x72: {  	_ =	shalt  }
0x73: {  	_ =	shalt  }
0x74: {  	_ =	shalt  }
0x75: {  	_ =	shalt  }
0x76: {  	_ =	shalt  }
0x77: {  	_ =	shalt  }
0x78: {  	_ =	shalt  }
0x79: {  	_ =	shalt  }
0x7a: {  	_ =	shalt  }
0x7b: {  	_ =	shalt  }
0x7c: {  	_ =	shalt  }
0x7d: {  	_ =	shalt  }
0x7e: {  	_ =	shalt  }
0x7f: {  	_ =	shalt  }
0x80: {  	_ =	shalt  }
0x81: {  	_ =	shalt  }
0x82: {  	_ =	shalt  }
0x83: {  	_ =	shalt  }
0x84: {  	_ =	shalt  }
0x85: {  	_ =	shalt  }
0x86: {  	_ =	shalt  }
0x87: {  	_ =	shalt  }
.Lfunc_end0:
.L_simem_size_0:
called_computation.1_lowered:
.L_overlay_start_0:
0x88: {  	s2 =	sld [smem:$0x3FD9]  }
0x89: {  	s3 =	sld [smem:$0x3FFE];
	_ =	sdelay $0x1  }
0x8a: {  	s1 =	srdreg.scid  }
0x8b: {  	s0 =	sand.u32 $0x1, s1  }
0x8c: {  	s17 =	sshll.u32 s0, $0xA;
	s2 =	sadd.s32 s3, s2  }
0x8d: {  	s2 =	sadd.s32 s2, s17  }
0x8e: {  	[smem:$0x3FC6] =	sst s2  }
0x8f: {  	_ = 	snop  }
0x90: {  	s2 =	sld [smem:$0x3FD0];
	(tm) =	ssettm $0x1  }
0x91: {  	s18 =	sld [smem:$0x3FFB];
	_ =	sdelay $0x3  }
0x92: {  	_ =	strace s18  }
0x93: {  	s3 =	sld [smem:$0x3FFC];
	_ =	sdelay $0x3  }
0x94: {  	_ =	strace s3  }
0x95: {  	s3 =	sld [smem:$0x3FFD];
	_ =	sdelay $0x3  }
0x96: {  	_ =	strace s3  }
0x97: {  	_ =	strace $0x8FFFFFFF  }
0x98: {  	s19 =	sld [smem:$0x3FDB];
	_ =	sdelay $0x1  }
0x99: {  	s4 =	simm.s32 $_scs_section_size  }
0x9a: {  	s5 =	simm.s32 $_size__tile_overlayer_lowered;
	s6 =	simm.s32 $_tile_overlayer_lowered  }
0x9b: {  	s22 =	simm.s32 $0x1BFF;
	s21 =	sshll.u32 s6, $0x1;
	s3 =	sadd.s32 s4, s19  }
0x9c: {  	s7 =	simm.s32 $0x0;
	s20 =	sshll.u32 s5, $0x1;
	s5 =	sadd.s32 s21, s3  }
0x9d: {  	[timem:s7], [sflag:s22] =	dma.local [hbm:s5], s20  }
0x9e: {  	_ =	swait.ge [sflag:s22], s20  }
0x9f: {  	s4 =	ssub.s32 $0x0, s20;
	[sflag:s22] =	ssyncset.done $0x0  }
0xa0: {  	[sflag:s22] =	ssyncadd.s32 s4;
	_ =	sdelay $0x1  }
0xa1: {  	s23 =	simm.s32 $0x1B8B  }
0xa2: {  	_ =	swait.ge [sflag:s23], $0x1  }
0xa3: {  	[sflag:s23] =	ssyncset.done $0x0  }
0xa4: {  	s25 =	simm.s32 $0x1B8E;
	s24 =	sld [smem:$0x3FFE];
	[sflag:s23] =	ssyncadd.s32 $0xFFFFFFFF  }
0xa5: {  	s26 =	simm.s32 $execute0_lowered;
	[smem:$0x3FD2] =	sst s25  }
0xa6: {  	s5 =	sshll.u32 s26, $0x1;
	_ =	strace $0x80000046;
	[dreg:$0x1] =	wrdreg $0xFFFFFFFF  }
0xa7: {  	s28 =	simm.s32 $_size_execute0_lowered;
	s3 =	sadd.s32 s3, s5;
	[dreg:$0x0] =	wrdreg $0x0  }
0xa8: {  	s5 =	sshll.u32 s28, $0x1;
	[dreg:$0x2] =	wrdreg s3  }
0xa9: {  	[dreg:$0x3] =	wrdreg s5  }
0xaa: {  	[dreg:$0x4] =	wrdreg $0xC0  }
0xab: {  	_ =	task [dreg:s7], $0x5FFFF  }
0xac: {  	[dreg:$0x1] =	wrdreg $0xFFFFFFFF  }
0xad: {  	[dreg:$0x0] =	wrdreg $0x60  }
0xae: {  	[dreg:$0x2] =	wrdreg s2  }
0xaf: {  	[dreg:$0x3] =	wrdreg s24  }
0xb0: {  	[dreg:$0x4] =	wrdreg $0x9  }
0xb1: {  	_ =	task.clear_ibuf [dreg:s7], $0x5FFFF;
	_ =	strace $0x90000046  }
0xb2: {  	s29 =	simm.s32 $0x9;
	_ =	strace $0x80000048  }
0xb3: {  	_ =	swait.ge [sflag:s29], $0x1  }
0xb4: {  	[sflag:s29] =	ssyncadd.s32 $0xFFFFFFFF  }
0xb5: {  	_ =	strace $0x90000048  }
0xb6: {  	_ =	sfence  }
0xb7: {  	s30 =	sld [smem:$0x0];
	_ =	sdelay $0x2  }
0xb8: {  	s31 =	sshll.u32 s1, $0xD;
	s1 =	sshrl.u32 s1, $0x2  }
0xb9: {  	s3 =	sand.u32 $0x4000, s31;
	s1 =	sadd.s32 s1, s30  }
0xba: {  	s0 =	sor.u32 s3, s0;
	s1 =	sshll.u32 s1, $0x11  }
0xbb: {  	s0 =	sor.u32 s1, s0  }
0xbc: {  	s0 =	sadd.s32 $0x8F2B, s0  }
0xbd: {  	[sflag:s0] =	ssyncadd.remote.s32 $0x1  }
0xbe: {  	_ =	sfence.sel $0xFFFF  }
0xbf: {  	[dreg:$0x0] =	wrdreg $0xFFFFFFFF;
	(pc) =	sbr.abs _section_cstart, $3  }
0xc0: {  	[dreg:$0x1] =	wrdreg $0xFFFFFFFF  }
0xc1: {  	_ =	task.clear_ibuf [dreg:s7], $0x2FFFF;
	_ =	strace $0x9FFFFFFF  }
0xc2: {  	(tm) =	ssettm $0x7FFFFFFF  }
0xc3: {  	_ =	shalt  }
tec
execute0_lowered:
.L_overlay_start_1:
0x0: {  	(tag) =	ssettag $0x1  }
0x1: {  	s0 =	rddreg [dreg:$0x0]  }
0x2: {  	s1 =	rddreg [dreg:$0x1];
	s3 =	simm.s32 $0x0;
	s2 =	srdreg.scid  }
0x3: {  	s11 =	stileid.u32;
	s15 =	simm.s32 $0x80;
	s17 =	simm.s32 $0x9  }
0x4: {  	s18 =	simm.s32 $0x6400;
	s19 =	simm.s32 $0x8400;
	s20 =	simm.s32 $0x1  }
0x5: {  	s22 =	simm.s32 $0xA400;
	s23 =	simm.s32 $0x40;
	s28 =	simm.s32 $0x3  }
0x6: {  	s29 =	simm.s32 $0x5;
	s31 =	simm.s32 $0x4;
	s16 =	simm.s32 $0x7  }
0x7: {  	s21 =	simm.s32 $0x8;
	[smem:$0x7FF] =	sst s3;
	s2 =	sand.u32 $0x1, s2  }
0x8: {  	s4 =	sshll.u32 s11, $0x8;
	s3 =	sadd.s32 $0xF42E00, s1;
	s12 =	sadd.s32 $0xA00, s1  }
0x9: {  	s1 =	sadd.s32 $0x10A00, s1;
	s13 =	sshll.u32 s11, $0xC;
	_ =	strace $0x80000047  }
0xa: {  	s5 =	sshll.u32 s2, $0x7;
	s6 =	ssub.s32 $0x2, s2;
	s26 =	sadd.s32 s13, s12  }
0xb: {  	s30 =	sshll.u32 s2, $0xB;
	s5 =	sor.u32 s5, s4;
	s24 =	sshrl.u32 s6, $0x1  }
0xc: {  	s7 =	sshrl.u32 s5, $0x3;
	s6 =	ssub.s32 s6, s24;
	s25 =	sshll.u32 s5, $0x4  }
0xd: {  	s24 =	simm.s32 $0x2;
	s0 =	sadd.s32 s0, s7;
	s5 =	sadd.s32 s12, s25  }
0xe: {  	s6 =	smax.u32 s6, $0x1;
	s7 =	sadd.s32 s25, s1;
	[dreg:$0x3] =	wrdreg s0  }
0xf: {  	s8 =	sadd.s32 $0x20000, s5;
	s0 =	sor.u32 $0xC40000, s25;
	s9 =	sadd.s32 $0x30000, s5  }
0x10: {  	s13 =	sadd.s32 $0xC70000, s5;
	s10 =	sadd.s32 s12, s0;
	s11 =	sadd.s32 s0, s1  }
0x11: {  	s12 =	sadd.s32 $0xC60000, s5;
	s0 =	sadd.s32 s30, s26;
	s26 =	simm.s32 $0xC400  }
0x12: {  	s1 =	simm.s32 $0x0;
	s14 =	sadd.s32 $0x40000, s0;
	s0 =	simm.s32 $0x6  }
.LBB2_1:
0x13: {  	s2 =	simm.s32 $0x0;
	s4 =	rddreg [dreg:$0x3];
	s25 =	simm.s32 $0x1000  }
0x14: {  	[tilespmem:s2], [sflag:$0x9] =	stream.strided.gather [hbm4b:s4+s15], $0x6400, s25, s15, $0x38;
	[tilespmem:$0xE400] =	vst v63  }
0x15: {  	_ =	swait.ge [sflag:s17], $0x6400  }
0x16: {  	[sflag:s17] =	ssyncset.done $0x0  }
0x17: {  	[sflag:s17] =	ssyncadd.s32 $0xFFFF9C00  }
0x18: {  	[tilespmem:s18], [sflag:$0x1] =	stream.indirect.gather [hbm4b:s3+s15], $0x40, s2, s15, $0xb8;
	[tilespmem:$0xE400] =	vst v63  }
0x19: {  	_ = 	snop  }
0x1a: {  	[tilespmem:s19], [sflag:$0x2] =	stream.indirect.gather [hbm4b:s3+s15], $0x40, s15, s15, $0xb8;
	[tilespmem:$0xE400] =	vst v63  }
0x1b: {  	_ =	swait.ge [sflag:s20], $0x2000  }
0x1c: {  	[sflag:s20] =	ssyncset.done $0x0  }
0x1d: {  	s4 =	simm.s32 $0x100;
	[sflag:s20] =	ssyncadd.s32 $0xFFFFE000  }
0x1e: {  	[tilespmem:s22], [sflag:$0x3] =	stream.indirect.gather [hbm4b:s3+s15], $0x40, s4, s15, $0xb8;
	[tilespmem:$0xE400] =	vst v63  }
0x1f: {  	_ = 	snop  }
0x20: {  	[hbm4b:s5+s23] =	stream.strided.scatter [tilespmem:s18], [sflag:$0x5], $0x2000, s15, s23, $0x38;
	[tilespmem:$0xE400] =	vst v63  }
0x21: {  	_ =	swait.ge [sflag:s24], $0x2000  }
0x22: {  	[sflag:s24] =	ssyncset.done $0x0  }
0x23: {  	s25 =	simm.s32 $0x180;
	[sflag:s24] =	ssyncadd.s32 $0xFFFFE000  }
0x24: {  	[tilespmem:s26], [sflag:$0x4] =	stream.indirect.gather [hbm4b:s3+s15], $0x40, s25, s15, $0xb8;
	[tilespmem:$0xE400] =	vst v63  }
0x25: {  	_ = 	snop  }
0x26: {  	[hbm4b:s7+s23] =	stream.strided.scatter [tilespmem:s19], [sflag:$0x6], $0x2000, s15, s23, $0x38;
	[tilespmem:$0xE400] =	vst v63  }
0x27: {  	_ =	swait.ge [sflag:s28], $0x2000  }
0x28: {  	[sflag:s28] =	ssyncset.done $0x0  }
0x29: {  	[sflag:s28] =	ssyncadd.s32 $0xFFFFE000  }
0x2a: {  	_ =	swait.ge [sflag:s29], $0x2000  }
0x2b: {  	[sflag:s29] =	ssyncset.done $0x0  }
0x2c: {  	s4 =	simm.s32 $0x200;
	[sflag:s29] =	ssyncadd.s32 $0xFFFFE000  }
0x2d: {  	[tilespmem:s18], [sflag:$0x1] =	stream.indirect.gather [hbm4b:s3+s15], $0x40, s4, s15, $0xb8;
	[tilespmem:$0xE400] =	vst v63  }
0x2e: {  	_ = 	snop  }
0x2f: {  	[hbm4b:s8+s23] =	stream.strided.scatter [tilespmem:s22], [sflag:$0x7], $0x2000, s15, s23, $0x38;
	[tilespmem:$0xE400] =	vst v63  }
0x30: {  	_ =	swait.ge [sflag:s31], $0x2000  }
0x31: {  	[sflag:s31] =	ssyncset.done $0x0  }
0x32: {  	[sflag:s31] =	ssyncadd.s32 $0xFFFFE000  }
0x33: {  	_ =	swait.ge [sflag:s0], $0x2000  }
0x34: {  	[sflag:s0] =	ssyncset.done $0x0  }
0x35: {  	s25 =	simm.s32 $0x280;
	[sflag:s0] =	ssyncadd.s32 $0xFFFFE000  }
0x36: {  	[tilespmem:s19], [sflag:$0x2] =	stream.indirect.gather [hbm4b:s3+s15], $0x40, s25, s15, $0xb8;
	[tilespmem:$0xE400] =	vst v63  }
0x37: {  	_ = 	snop  }
0x38: {  	[hbm4b:s9+s23] =	stream.strided.scatter [tilespmem:s26], [sflag:$0x8], $0x2000, s15, s23, $0x38;
	[tilespmem:$0xE400] =	vst v63  }
0x39: {  	_ =	swait.ge [sflag:s20], $0x2000  }
0x3a: {  	[sflag:s20] =	ssyncset.done $0x0  }
0x3b: {  	[sflag:s20] =	ssyncadd.s32 $0xFFFFE000  }
0x3c: {  	_ =	swait.ge [sflag:s16], $0x2000  }
0x3d: {  	[sflag:s16] =	ssyncset.done $0x0  }
0x3e: {  	s4 =	simm.s32 $0x300;
	[sflag:s16] =	ssyncadd.s32 $0xFFFFE000  }
0x3f: {  	[tilespmem:s22], [sflag:$0x3] =	stream.indirect.gather [hbm4b:s3+s15], $0x40, s4, s15, $0xb8;
	[tilespmem:$0xE400] =	vst v63  }
0x40: {  	_ = 	snop  }
0x41: {  	[hbm4b:s14+s23] =	stream.strided.scatter [tilespmem:s18], [sflag:$0x5], $0x2000, s15, s23, $0x38;
	[tilespmem:$0xE400] =	vst v63  }
0x42: {  	_ =	swait.ge [sflag:s24], $0x2000  }
0x43: {  	[sflag:s24] =	ssyncset.done $0x0  }
0x44: {  	[sflag:s24] =	ssyncadd.s32 $0xFFFFE000  }
0x45: {  	_ =	swait.ge [sflag:s21], $0x2000  }
0x46: {  	[sflag:s21] =	ssyncset.done $0x0  }
0x47: {  	s25 =	simm.s32 $0x380;
	[sflag:s21] =	ssyncadd.s32 $0xFFFFE000  }
0x48: {  	[tilespmem:s26], [sflag:$0x4] =	stream.indirect.gather [hbm4b:s3+s15], $0x40, s25, s15, $0xb8;
	[tilespmem:$0xE400] =	vst v63  }
0x49: {  	s4 =	sadd.s32 $0x10000, s14  }
0x4a: {  	[hbm4b:s4+s23] =	stream.strided.scatter [tilespmem:s19], [sflag:$0x6], $0x2000, s15, s23, $0x38;
	[tilespmem:$0xE400] =	vst v63  }
0x4b: {  	_ =	swait.ge [sflag:s28], $0x2000  }
0x4c: {  	[sflag:s28] =	ssyncset.done $0x0  }
0x4d: {  	[sflag:s28] =	ssyncadd.s32 $0xFFFFE000  }
0x4e: {  	_ =	swait.ge [sflag:s29], $0x2000  }
0x4f: {  	[sflag:s29] =	ssyncset.done $0x0  }
0x50: {  	s25 =	simm.s32 $0x400;
	[sflag:s29] =	ssyncadd.s32 $0xFFFFE000  }
0x51: {  	[tilespmem:s18], [sflag:$0x1] =	stream.indirect.gather [hbm4b:s3+s15], $0x40, s25, s15, $0xb8;
	[tilespmem:$0xE400] =	vst v63  }
0x52: {  	s4 =	sadd.s32 $0x20000, s14  }
0x53: {  	[hbm4b:s4+s23] =	stream.strided.scatter [tilespmem:s22], [sflag:$0x7], $0x2000, s15, s23, $0x38;
	[tilespmem:$0xE400] =	vst v63  }
0x54: {  	_ =	swait.ge [sflag:s31], $0x2000  }
0x55: {  	[sflag:s31] =	ssyncset.done $0x0  }
0x56: {  	[sflag:s31] =	ssyncadd.s32 $0xFFFFE000  }
0x57: {  	_ =	swait.ge [sflag:s0], $0x2000  }
0x58: {  	[sflag:s0] =	ssyncset.done $0x0  }
0x59: {  	s25 =	simm.s32 $0x480;
	[sflag:s0] =	ssyncadd.s32 $0xFFFFE000  }
0x5a: {  	[tilespmem:s19], [sflag:$0x2] =	stream.indirect.gather [hbm4b:s3+s15], $0x40, s25, s15, $0xb8;
	[tilespmem:$0xE400] =	vst v63  }
0x5b: {  	s30 =	sadd.s32 $0x40000, s14;
	s2 =	sadd.s32 $0x30000, s14;
	s25 =	simm.s32 $0x800  }
.LBB2_2:
0x5c: {  	[hbm4b:s2+s23] =	stream.strided.scatter [tilespmem:s26], [sflag:$0x8], $0x2000, s15, s23, $0x38;
	[tilespmem:$0xE400] =	vst v63  }
0x5d: {  	s2 =	smov.u32 s25  }
0x5e: {  	p0 =	sne.s32 s25, $0x17800;
	s25 =	sadd.s32 $0x800, s25;
	_ =	swait.ge [sflag:s20], $0x2000  }
0x5f: {  	[sflag:s20] =	ssyncset.done $0x0  }
0x60: {  	[sflag:s20] =	ssyncadd.s32 $0xFFFFE000  }
0x61: {  	_ =	swait.ge [sflag:s16], $0x2000  }
0x62: {  	s2 =	sshra.s32 s2, $0x2;
	[sflag:s16] =	ssyncset.done $0x0  }
0x63: {  	s4 =	sadd.s32 $0x300, s2;
	[sflag:s16] =	ssyncadd.s32 $0xFFFFE000  }
0x64: {  	[tilespmem:s22], [sflag:$0x3] =	stream.indirect.gather [hbm4b:s3+s15], $0x40, s4, s15, $0xb8;
	[tilespmem:$0xE400] =	vst v63  }
0x65: {  	_ = 	snop  }
0x66: {  	[hbm4b:s30+s23] =	stream.strided.scatter [tilespmem:s18], [sflag:$0x5], $0x2000, s15, s23, $0x38;
	[tilespmem:$0xE400] =	vst v63  }
0x67: {  	_ =	swait.ge [sflag:s24], $0x2000  }
0x68: {  	[sflag:s24] =	ssyncset.done $0x0  }
0x69: {  	[sflag:s24] =	ssyncadd.s32 $0xFFFFE000  }
0x6a: {  	_ =	swait.ge [sflag:s21], $0x2000  }
0x6b: {  	[sflag:s21] =	ssyncset.done $0x0  }
0x6c: {  	s4 =	sadd.s32 $0x380, s2;
	[sflag:s21] =	ssyncadd.s32 $0xFFFFE000  }
0x6d: {  	[tilespmem:s26], [sflag:$0x4] =	stream.indirect.gather [hbm4b:s3+s15], $0x40, s4, s15, $0xb8;
	[tilespmem:$0xE400] =	vst v63  }
0x6e: {  	s4 =	sadd.s32 $0x10000, s30  }
0x6f: {  	[hbm4b:s4+s23] =	stream.strided.scatter [tilespmem:s19], [sflag:$0x6], $0x2000, s15, s23, $0x38;
	[tilespmem:$0xE400] =	vst v63  }
0x70: {  	_ =	swait.ge [sflag:s28], $0x2000  }
0x71: {  	[sflag:s28] =	ssyncset.done $0x0  }
0x72: {  	[sflag:s28] =	ssyncadd.s32 $0xFFFFE000  }
0x73: {  	_ =	swait.ge [sflag:s29], $0x2000  }
0x74: {  	[sflag:s29] =	ssyncset.done $0x0  }
0x75: {  	s4 =	sadd.s32 $0x400, s2;
	[sflag:s29] =	ssyncadd.s32 $0xFFFFE000  }
0x76: {  	[tilespmem:s18], [sflag:$0x1] =	stream.indirect.gather [hbm4b:s3+s15], $0x40, s4, s15, $0xb8;
	[tilespmem:$0xE400] =	vst v63  }
0x77: {  	s4 =	sadd.s32 $0x20000, s30  }
0x78: {  	[hbm4b:s4+s23] =	stream.strided.scatter [tilespmem:s22], [sflag:$0x7], $0x2000, s15, s23, $0x38;
	[tilespmem:$0xE400] =	vst v63  }
0x79: {  	_ =	swait.ge [sflag:s31], $0x2000  }
0x7a: {  	[sflag:s31] =	ssyncset.done $0x0  }
0x7b: {  	[sflag:s31] =	ssyncadd.s32 $0xFFFFE000  }
.Ltmp0:
0x7c: {  	_ =	swait.ge [sflag:s0], $0x2000;
	(pc) =	sbr.rel @p0 .LBB2_2-.Ltmp0, $4  }
0x7d: {  	[sflag:s0] =	ssyncset.done $0x0  }
0x7e: {  	s2 =	sadd.s32 $0x480, s2;
	[sflag:s0] =	ssyncadd.s32 $0xFFFFE000  }
0x7f: {  	[tilespmem:s19], [sflag:$0x2] =	stream.indirect.gather [hbm4b:s3+s15], $0x40, s2, s15, $0xb8;
	[tilespmem:$0xE400] =	vst v63  }
0x80: {  	s2 =	sadd.s32 $0x30000, s30;
	s30 =	sadd.s32 $0x40000, s30  }
0x81: {  	[hbm4b:s2+s23] =	stream.strided.scatter [tilespmem:s26], [sflag:$0x8], $0x2000, s15, s23, $0x38;
	[tilespmem:$0xE400] =	vst v63  }
0x82: {  	_ =	swait.ge [sflag:s20], $0x2000  }
0x83: {  	[sflag:s20] =	ssyncset.done $0x0  }
0x84: {  	[sflag:s20] =	ssyncadd.s32 $0xFFFFE000  }
0x85: {  	_ =	swait.ge [sflag:s16], $0x2000  }
0x86: {  	[sflag:s16] =	ssyncset.done $0x0  }
0x87: {  	s25 =	simm.s32 $0x6300;
	[sflag:s16] =	ssyncadd.s32 $0xFFFFE000  }
0x88: {  	[tilespmem:s22], [sflag:$0x3] =	stream.indirect.gather [hbm4b:s3+s15], $0x40, s25, s15, $0xb8;
	[tilespmem:$0xE400] =	vst v63  }
0x89: {  	_ = 	snop  }
0x8a: {  	[hbm4b:s10+s23] =	stream.strided.scatter [tilespmem:s18], [sflag:$0x5], $0x2000, s15, s23, $0x38;
	[tilespmem:$0xE400] =	vst v63  }
0x8b: {  	_ =	swait.ge [sflag:s24], $0x2000  }
0x8c: {  	[sflag:s24] =	ssyncset.done $0x0  }
0x8d: {  	[sflag:s24] =	ssyncadd.s32 $0xFFFFE000  }
0x8e: {  	_ =	swait.ge [sflag:s21], $0x2000  }
0x8f: {  	[sflag:s21] =	ssyncset.done $0x0  }
0x90: {  	s30 =	simm.s32 $0x6380;
	[sflag:s21] =	ssyncadd.s32 $0xFFFFE000  }
0x91: {  	[tilespmem:s26], [sflag:$0x4] =	stream.indirect.gather [hbm4b:s3+s15], $0x40, s30, s15, $0xb8;
	[tilespmem:$0xE400] =	vst v63  }
0x92: {  	_ = 	snop  }
0x93: {  	[hbm4b:s11+s23] =	stream.strided.scatter [tilespmem:s19], [sflag:$0x6], $0x2000, s15, s23, $0x38;
	[tilespmem:$0xE400] =	vst v63  }
0x94: {  	_ =	swait.ge [sflag:s28], $0x2000  }
0x95: {  	[sflag:s28] =	ssyncset.done $0x0  }
0x96: {  	[sflag:s28] =	ssyncadd.s32 $0xFFFFE000  }
0x97: {  	_ =	swait.ge [sflag:s29], $0x2000  }
0x98: {  	[sflag:s29] =	ssyncset.done $0x0  }
0x99: {  	[sflag:s29] =	ssyncadd.s32 $0xFFFFE000  }
0x9a: {  	[hbm4b:s12+s23] =	stream.strided.scatter [tilespmem:s22], [sflag:$0x7], $0x2000, s15, s23, $0x38;
	[tilespmem:$0xE400] =	vst v63  }
0x9b: {  	_ =	swait.ge [sflag:s31], $0x2000  }
0x9c: {  	[sflag:s31] =	ssyncset.done $0x0  }
0x9d: {  	[sflag:s31] =	ssyncadd.s32 $0xFFFFE000  }
0x9e: {  	_ =	swait.ge [sflag:s0], $0x2000  }
0x9f: {  	[sflag:s0] =	ssyncset.done $0x0  }
0xa0: {  	s1 =	sadd.s32 $0x1, s1;
	[sflag:s0] =	ssyncadd.s32 $0xFFFFE000  }
0xa1: {  	[hbm4b:s13+s23] =	stream.strided.scatter [tilespmem:s26], [sflag:$0x8], $0x2000, s15, s23, $0x38;
	[tilespmem:$0xE400] =	vst v63  }
0xa2: {  	p0 =	sne.s32 s1, s6;
	_ =	swait.ge [sflag:s16], $0x2000  }
.Ltmp1:
0xa3: {  	[sflag:s16] =	ssyncset.done $0x0;
	(pc) =	sbr.rel @p0 .LBB2_1-.Ltmp1, $4  }
0xa4: {  	[sflag:s16] =	ssyncadd.s32 $0xFFFFE000  }
0xa5: {  	_ =	swait.ge [sflag:s21], $0x2000  }
0xa6: {  	[sflag:s21] =	ssyncset.done $0x0  }
0xa7: {  	[sflag:s21] =	ssyncadd.s32 $0xFFFFE000  }
0xa8: {  	_ =	sfence.sel $0x180000  }
0xa9: {  	[bflag:$0x0] =	sbarrier.arrive $0xFFFF  }
0xaa: {  	_ =	strace $0x90000047  }
0xab: {  	s0 =	stileid.u32;
	[bflag:$0x2] =	sbarrier.arrive $0xFFFF  }
0xac: {  	p0 =	sne.s32 s0, $0x0;
	s0 =	rddreg [dreg:$0x2]  }
0xad: {  	s0 =	sadd.s32 @!p0 $0x100000, s0  }
0xae: {  	[sflag:s0] =	ssyncadd.tile.s32 @!p0 $0x1;
	_ =	shalt  }
.Lfunc_end2:
_tile_overlayer_lowered:
.L_overlay_start_2:
0xaf: {  	(tag) =	ssettag $0x2  }
0xb0: {  	s0 =	rddreg [dreg:$0x0];
	s2 =	stileid.u32  }
0xb1: {  	s1 =	rddreg [dreg:$0x1];
	p0 =	sne.s32 s2, $0x0  }
0xb2: {  	s3 =	rddreg [dreg:$0x2];
	[bflag:$0x3] =	sbarrier.arrive $0xFFFF;
	s2 =	simm.s32 @!p0 $0x1C09  }
0xb3: {  	[timem:s3], [sflag:s2] =	dma.local @!p0 [hbm:s0], s1  }
0xb4: {  	s0 =	simm.s32 @!p0 $0x9  }
0xb5: {  	_ =	swait.ge @!p0 [sflag:s0], s1  }
0xb6: {  	s1 =	ssub.s32 @!p0 $0x0, s1;
	[sflag:s0] =	ssyncset.done @!p0 $0x0  }
0xb7: {  	[sflag:s0] =	ssyncadd.s32 @!p0 s1  }
0xb8: {  	[bflag:$0x3] =	sbarrier.arrive $0xFFFF  }
0xb9: {  	_ =	shalt  }

// kernel: sparse-core-data-format-call.cloned.1.call-start
scs
called_computation_lowered:
.L_overlay_start_0:
0x0: {  	s2 =	sld [smem:$0x3FD9]  }
0x1: {  	s3 =	sld [smem:$0x3FFE];
	_ =	sdelay $0x1  }
0x2: {  	s1 =	srdreg.scid  }
0x3: {  	s0 =	sand.u32 $0x1, s1  }
0x4: {  	s18 =	sshll.u32 s0, $0xA;
	s2 =	sadd.s32 s3, s2  }
0x5: {  	s2 =	sadd.s32 s2, s18  }
0x6: {  	[smem:$0x3FC6] =	sst s2  }
0x7: {  	_ = 	snop  }
0x8: {  	s2 =	sld [smem:$0x3FD0];
	(tm) =	ssettm $0x1  }
0x9: {  	s19 =	sld [smem:$0x3FFB];
	_ =	sdelay $0x3  }
0xa: {  	_ =	strace s19  }
0xb: {  	s3 =	sld [smem:$0x3FFC];
	_ =	sdelay $0x3  }
0xc: {  	_ =	strace s3  }
0xd: {  	s3 =	sld [smem:$0x3FFD];
	_ =	sdelay $0x3  }
0xe: {  	_ =	strace s3  }
0xf: {  	_ =	strace $0x8FFFFFFF  }
0x10: {  	s20 =	sld [smem:$0x3FDB];
	_ =	sdelay $0x1  }
0x11: {  	s4 =	simm.s32 $_scs_section_size  }
0x12: {  	s5 =	simm.s32 $_size__tile_overlayer_lowered;
	s6 =	simm.s32 $_tile_overlayer_lowered  }
0x13: {  	s23 =	simm.s32 $0x1BFF;
	s22 =	sshll.u32 s6, $0x1;
	s3 =	sadd.s32 s4, s20  }
0x14: {  	s7 =	simm.s32 $0x0;
	s21 =	sshll.u32 s5, $0x1;
	s5 =	sadd.s32 s22, s3  }
0x15: {  	[timem:s7], [sflag:s23] =	dma.local [hbm:s5], s21  }
0x16: {  	_ =	swait.ge [sflag:s23], s21  }
0x17: {  	s4 =	ssub.s32 $0x0, s21;
	[sflag:s23] =	ssyncset.done $0x0  }
0x18: {  	[sflag:s23] =	ssyncadd.s32 s4;
	_ =	sdelay $0x1  }
0x19: {  	s24 =	simm.s32 $0x1B8B  }
0x1a: {  	_ =	swait.ge [sflag:s24], $0x1  }
0x1b: {  	[sflag:s24] =	ssyncset.done $0x0  }
0x1c: {  	s26 =	simm.s32 $0x1B8E;
	s25 =	sld [smem:$0x3FFE];
	[sflag:s24] =	ssyncadd.s32 $0xFFFFFFFF  }
0x1d: {  	s27 =	simm.s32 $execute0_lowered;
	[smem:$0x3FD2] =	sst s26  }
0x1e: {  	s5 =	sshll.u32 s27, $0x1;
	_ =	strace $0x80000049;
	[dreg:$0x1] =	wrdreg $0xFFFFFFFF  }
0x1f: {  	s28 =	simm.s32 $_size_execute0_lowered;
	s3 =	sadd.s32 s3, s5;
	[dreg:$0x0] =	wrdreg $0x0  }
0x20: {  	s5 =	sshll.u32 s28, $0x1;
	[dreg:$0x2] =	wrdreg s3  }
0x21: {  	[dreg:$0x3] =	wrdreg s5  }
0x22: {  	[dreg:$0x4] =	wrdreg $0xC0  }
0x23: {  	_ =	task [dreg:s7], $0x5FFFF  }
0x24: {  	[dreg:$0x1] =	wrdreg $0xFFFFFFFF  }
0x25: {  	[dreg:$0x0] =	wrdreg $0x60  }
0x26: {  	[dreg:$0x2] =	wrdreg s25  }
0x27: {  	[dreg:$0x3] =	wrdreg s2  }
0x28: {  	[dreg:$0x4] =	wrdreg $0x9  }
0x29: {  	_ =	task.clear_ibuf [dreg:s7], $0x5FFFF;
	_ =	strace $0x90000049  }
0x2a: {  	s29 =	simm.s32 $0x9;
	_ =	strace $0x8000004B  }
0x2b: {  	_ =	swait.ge [sflag:s29], $0x1  }
0x2c: {  	[sflag:s29] =	ssyncadd.s32 $0xFFFFFFFF  }
0x2d: {  	_ =	strace $0x9000004B  }
0x2e: {  	_ =	sfence  }
0x2f: {  	s30 =	sld [smem:$0x0];
	_ =	sdelay $0x2  }
0x30: {  	s31 =	sshll.u32 s1, $0xD;
	s1 =	sshrl.u32 s1, $0x2  }
0x31: {  	s3 =	sand.u32 $0x4000, s31;
	s1 =	sadd.s32 s1, s30  }
0x32: {  	s0 =	sor.u32 s3, s0;
	s1 =	sshll.u32 s1, $0x11  }
0x33: {  	s0 =	sor.u32 s1, s0  }
0x34: {  	s0 =	sadd.s32 $0x8F2B, s0  }
0x35: {  	[sflag:s0] =	ssyncadd.remote.s32 $0x1  }
0x36: {  	_ =	sfence.sel $0xFFFF  }
0x37: {  	[dreg:$0x0] =	wrdreg $0xFFFFFFFF;
	(pc) =	sbr.abs _section_cstart, $3  }
0x38: {  	[dreg:$0x1] =	wrdreg $0xFFFFFFFF  }
0x39: {  	_ =	task.clear_ibuf [dreg:s7], $0x2FFFF;
	_ =	strace $0x9FFFFFFF  }
0x3a: {  	(tm) =	ssettm $0x7FFFFFFF  }
0x3b: {  	_ =	shalt  }
tec
execute0_lowered:
.L_overlay_start_1:
0x0: {  	(tag) =	ssettag $0x1  }
0x1: {  	s0 =	srdreg.scid  }
0x2: {  	s1 =	sshll.u32 s0, $0x4  }
0x3: {  	s5 =	rddreg [dreg:$0x0];
	s0 =	stileid.u32;
	s1 =	sand.u32 $0x10, s1  }
0x4: {  	s3 =	rddreg [dreg:$0x1];
	s31 =	simm.s32 $0x2;
	s4 =	sor.u32 s0, s1  }
0x5: {  	s13 =	simm.s32 $0x0;
	s9 =	simm.s32 $0x400;
	s2 =	sshll.u32 s4, $0x7  }
0x6: {  	s10 =	simm.s32 $0x8000;
	s14 =	simm.s32 $0x0;
	s6 =	ssub.s32 $0x1000, s2  }
0x7: {  	s1 =	rddreg [dreg:$0x2];
	_ =	strace $0x8000004A;
	s7 =	sand.u32 $0xF80, s6  }
0x8: {  	s4 =	sshll.u32 s4, $0xB;
	p0 =	sne.s32 s7, $0x0;
	s7 =	simm.s32 $0x1  }
.Ltmp0:
0x9: {  	s6 =	sshrl.u32 s6, $0xC;
	s7 =	simm.s32 @!p0 $0x0;
	(pc) =	sbr.rel .LBB1_1-.Ltmp0, $4  }
0xa: {  	s8 =	sadd.s32 s4, s5;
	s4 =	simm.s32 $0x1;
	s30 =	sadd.s32 s7, s6  }
0xb: {  	s11 =	simm.s32 $0x0;
	[sflag:s4] =	ssyncpa.u1 $0x0;
	s5 =	smul.u32 $0x64, s30  }
0xc: {  	s12 =	simm.s32 $0x0;
	[sflag:s31] =	ssyncpa.u1 $0x0;
	p0 =	por $0x0, $0x0  }
0xd: {  	s6 =	sadd.s32 $0xA00, s8;
	s7 =	sadd.s32 $0x10A00, s8;
	s8 =	sor.u32 $0x1, s5  }
.LBB1_7:
0xe: {  	s15 =	sadd.s32 $0x2, s11  }
0xf: {  	p2 =	sgt.s32 s15, $0xC7  }
0x10: {  	s15 =	simm.s32 @p2 $0x0;
	p2 =	sne.s32 s12, s8  }
.Ltmp1:
0x11: {  	p1 =	slt.u32 s12, $0x2;
	(pc) =	sbr.rel @!p2 .LBB1_8-.Ltmp1, $4  }
0x12: {  	s13 =	simm.s32 @!p1 $0x2  }
0x13: {  	s16 =	sadd.s32 $0x1, s12;
	s14 =	smov.u32 s11;
	_ =	swait.ge @!p1 [sflag:s13], $0x4000  }
0x14: {  	p0 =	por !p0, !p0;
	s12 =	smov.u32 s16;
	[sflag:s13] =	ssyncset.done @!p1 $0x0  }
0x15: {  	s11 =	smov.u32 s15;
	[sflag:s13] =	ssyncadd.s32 @!p1 $0xFFFFC000;
	s13 =	smov.u32 s2  }
.LBB1_1:
0x16: {  	p1 =	sge.u32 s12, s5  }
0x17: {  	s15 =	sxor.u32 @!p1 $0xFFFFFFFF, s12  }
0x18: {  	s16 =	sshll.u32 @!p1 s11, $0x10;
	s18 =	simm.s32 @!p1 $0x40;
	s15 =	sshll.u32 @!p1 s15, $0xE  }
0x19: {  	s19 =	simm.s32 @!p1 $0x80;
	s17 =	sadd.s32 @!p1 s16, s6;
	s15 =	sand.u32 @!p1 $0x4000, s15  }
0x1a: {  	[tilespmem:s15], [sflag:$0x1] =	stream.strided.gather @!p1 [hbm4b:s17+s18], $0x2000, s19, s18, $0x38;
	[tilespmem:$0x10100] =	vst v63  }
0x1b: {  	s31 =	sadd.s32 $0xFFFFFFFF, s12;
	s16 =	sadd.s32 @!p1 s16, s7;
	s15 =	sor.u32 @!p1 $0x2000, s15  }
0x1c: {  	[tilespmem:s15], [sflag:$0x1] =	stream.strided.gather @!p1 [hbm4b:s16+s18], $0x2000, s19, s18, $0x38;
	[tilespmem:$0x10100] =	vst v63  }
0x1d: {  	p1 =	sge.u32 s31, s5  }
.Ltmp2:
0x1e: {  	_ = 	snop;
	(pc) =	sbr.rel @p1 .LBB1_7-.Ltmp2, $1  }
0x1f: {  	_ =	sdelay $0x3  }
0x20: {  	s15 =	simm.s32 $0x1;
	s17 =	sand.u32 $0x1, s12  }
0x21: {  	_ =	swait.ge [sflag:s4], $0x4000;
	s15 =	simm.s32 @!p0 $0x0;
	s17 =	smul.u32 $0x10200, s17  }
0x22: {  	p2 =	por $0x1, $0x1;
	[sflag:s4] =	ssyncset.done $0x0;
	s16 =	smul.u32 $0x10200, s15  }
0x23: {  	s18 =	sshll.u32 s15, $0x10;
	[sflag:s4] =	ssyncadd.s32 $0xFFFFC000;
	s30 =	sshrl.u32 s17, $0x2  }
0x24: {  	s31 =	sshrl.u32 s18, $0x2;
	s18 =	simm.s32 $0x0;
	s16 =	sshrl.u32 s16, $0x2  }
0x25: {  	s15 =	sor.u32 $0x8000, s30;
	s17 =	sadd.s32 $0x20, s31;
	s16 =	sor.u32 $0x8000, s16  }
.LBB1_3:
0x26: {  	s19 =	sshll.u32 s18, $0xD  }
0x27: {  	s19 =	sand.u32 $0x3FFFE000, s19  }
0x28: {  	s21 =	sadd.s32 s19, s17  }
0x29: {  	s31 =	smul.u32 $0x8100, s18;
	v3 =	vld [tilespmem:s21+$0x10]  }
0x2a: {  	v1 =	vld [tilespmem:s21+$0xFFFFFFF0]  }
0x2b: {  	s18 =	sshra.s32 s31, $0x2;
	v0 =	vld [tilespmem:s21+$0x0]  }
0x2c: {  	s18 =	sadd.s32 s18, s16;
	v2 =	vld [tilespmem:s21+$0xFFFFFFE0]  }
0x2d: {  	s19 =	sadd.s32 $0x0, s18  }
0x2e: {  	p1 =	por p2, p2;
	s20 =	simm.s32 $0x4;
	s21 =	sadd.s32 $0x40, s21;
	[tilespmem:s19+$0x1830 ss:$0x81] =	vst.msk $0xffff, v3  }
.LBB1_4:
0x2f: {  	v3 =	vld [tilespmem:s21+$0x10];
	p2 =	sne.s32 s20, $0x1FC;
	[tilespmem:s19+$0x810 ss:$0x81] =	vst.msk $0xffff, v1;
	s22 =	smov.u32 s20;
	s20 =	sadd.s32 $0x4, s20  }
.Ltmp3:
0x30: {  	v1 =	vld [tilespmem:s21+$0xFFFFFFF0];
	[tilespmem:s19+$0x1020 ss:$0x81] =	vst.msk $0xffff, v0;
	(pc) =	sbr.rel @p2 .LBB1_4-.Ltmp3, $4  }
0x31: {  	v0 =	vld [tilespmem:s21+$0x0];
	[tilespmem:s19+$0x0 ss:$0x81] =	vst.msk $0xffff, v2  }
0x32: {  	s19 =	sshra.s32 s22, $0x2;
	v2 =	vld [tilespmem:s21+$0xFFFFFFE0]  }
0x33: {  	s19 =	sadd.s32 s19, s18  }
0x34: {  	s21 =	sadd.s32 $0x40, s21;
	[tilespmem:s19+$0x1830 ss:$0x81] =	vst.msk $0xffff, v3  }
.Ltmp4:
0x35: {  	(pc) =	sbr.rel @p1 .LBB1_3-.Ltmp4, $4  }
0x36: {  	_ = 	snop  }
0x37: {  	[tilespmem:s19+$0x810 ss:$0x81] =	vst.msk $0xffff, v1  }
0x38: {  	[tilespmem:s19+$0x1020 ss:$0x81] =	vst.msk $0xffff, v0  }
0x39: {  	s18 =	simm.s32 $0x1;
	p2 =	por $0x0, $0x0;
	[tilespmem:s19+$0x0 ss:$0x81] =	vst.msk $0xffff, v2  }
.Ltmp5:
0x3a: {  	(pc) =	sbr.rel .LBB1_7-.Ltmp5, $4  }
0x3b: {  	s14 =	sshll.u32 s14, $0xF  }
0x3c: {  	s14 =	sadd.s32 s3, s14  }
0x3d: {  	s13 =	sadd.s32 s13, s14  }
0x3e: {  	[hbm4b:s13+s9] =	stream.strided.scatter [tilespmem:s15], [sflag:$0x2], $0x4000, s10, s9, $0x20;
	[tilespmem:$0x10100] =	vst v63  }
.LBB1_8:
0x3f: {  	_ =	sfence.sel $0x180000  }
0x40: {  	s2 =	simm.s32 $0x1;
	[bflag:$0x0] =	sbarrier.arrive $0xFFFF  }
0x41: {  	s31 =	simm.s32 $0x2;
	[sflag:s2] =	ssyncpa.u1 $0x1  }
0x42: {  	[sflag:s31] =	ssyncpa.u1 $0x1  }
0x43: {  	p0 =	sne.s32 s0, $0x0;
	_ =	strace $0x9000004A  }
0x44: {  	s0 =	sadd.s32 @!p0 $0x100000, s1;
	[bflag:$0x2] =	sbarrier.arrive $0xFFFF  }
0x45: {  	[sflag:s0] =	ssyncadd.tile.s32 @!p0 $0x1;
	_ =	shalt  }
.Lfunc_end1:
_tile_overlayer_lowered:
.L_overlay_start_2:
0x46: {  	(tag) =	ssettag $0x2  }
0x47: {  	s0 =	rddreg [dreg:$0x0];
	s2 =	stileid.u32  }
0x48: {  	s1 =	rddreg [dreg:$0x1];
	p0 =	sne.s32 s2, $0x0  }
0x49: {  	s3 =	rddreg [dreg:$0x2];
	[bflag:$0x3] =	sbarrier.arrive $0xFFFF;
	s2 =	simm.s32 @!p0 $0x1C01  }
0x4a: {  	[timem:s3], [sflag:s2] =	dma.local @!p0 [hbm:s0], s1  }
0x4b: {  	s0 =	simm.s32 @!p0 $0x1  }
0x4c: {  	_ =	swait.ge @!p0 [sflag:s0], s1  }
0x4d: {  	s1 =	ssub.s32 @!p0 $0x0, s1;
	[sflag:s0] =	ssyncset.done @!p0 $0x0  }
0x4e: {  	[sflag:s0] =	ssyncadd.s32 @!p0 s1  }
0x4f: {  	[bflag:$0x3] =	sbarrier.arrive $0xFFFF  }
0x50: {  	_ =	shalt  }

</sc_bundles>
